<compile_context>
chip_gen: v7x
topology: tpu7x:2x2x1
jax: 0.10.2.dev20260603
libtpu: 0.0.44.dev20260713+nightly
codegen_flags: <defaults>
</compile_context>

<pallas_src>
import functools

import jax
import jax.numpy as jnp
from jax import lax
from jax.experimental import pallas as pl
from jax.experimental.pallas import tpu as pltpu
from jax.experimental.pallas import tpu_sc as plsc

N_NODES = 10000
N_EDGES = 320000
D_IN = 128
D_HID = 64

NC = 2
NS = 16
NW = NC * NS
E_PER_W = N_EDGES // NW
CHUNK = 80
NCHUNK = E_PER_W // CHUNK
N_PAD = 10240
ROWS_PER_TILE = N_PAD // NS
LANES = 16
D_PAD = 128

_mesh = plsc.VectorSubcoreMesh(core_axis_name="c", subcore_axis_name="s")


@functools.partial(
    pl.kernel,
    out_type=jax.ShapeDtypeStruct((NW * N_NODES,), jnp.float32),
    mesh=_mesh,
    scratch_types=[
        pltpu.VMEM((NCHUNK, CHUNK), jnp.int32),
        pltpu.VMEM((N_NODES,), jnp.float32),
    ],
    compiler_params=pltpu.CompilerParams(needs_layout_passes=False),
)
def _deg_kernel(dst_hbm, out_hbm, dst_v, acc_l):
    c = lax.axis_index("c")
    s = lax.axis_index("s")
    wid = c * NS + s
    pltpu.sync_copy(dst_hbm.at[wid], dst_v)

    zeros16 = jnp.zeros((LANES,), jnp.float32)

    def zbody(i, _):
        acc_l[pl.ds(i * LANES, LANES)] = zeros16
        return 0

    lax.fori_loop(0, N_NODES // LANES, zbody, 0)

    ones16 = jnp.ones((LANES,), jnp.float32)

    def ebody(r, _):
        for k in range(CHUNK // LANES):
            idx = dst_v[r, pl.ds(k * LANES, LANES)]
            plsc.addupdate_scatter(acc_l, [idx], ones16)
        return 0

    lax.fori_loop(0, NCHUNK, ebody, 0)
    pltpu.sync_copy(acc_l, out_hbm.at[pl.ds(wid * N_NODES, N_NODES)])


@functools.partial(
    pl.kernel,
    out_type=jax.ShapeDtypeStruct((NC, N_PAD, D_HID), jnp.float32),
    mesh=_mesh,
    scratch_types=[
        pltpu.VMEM((NCHUNK, CHUNK), jnp.int32),
        pltpu.VMEM((NCHUNK, CHUNK), jnp.int32),
        pltpu.VMEM((CHUNK, D_HID), jnp.float32),
        pltpu.VMEM((ROWS_PER_TILE, D_HID), jnp.float32),
        pltpu.VMEM_SHARED((N_PAD, D_HID), jnp.float32),
        pltpu.SemaphoreType.DMA,
    ],
    compiler_params=pltpu.CompilerParams(needs_layout_passes=False,
                                         use_tc_tiling_on_sc=False),
)
def _agg1_kernel(g_hbm, src_hbm, dst_hbm, zero_hbm, out_hbm,
                 src_v, dst_v, rows_v, stage_v, acc_sh, sem):
    c = lax.axis_index("c")
    s = lax.axis_index("s")
    wid = c * NS + s
    pltpu.sync_copy(src_hbm.at[wid], src_v)
    pltpu.sync_copy(dst_hbm.at[wid], dst_v)

    pltpu.sync_copy(zero_hbm, stage_v)
    pltpu.sync_copy(stage_v, acc_sh.at[pl.ds(s * ROWS_PER_TILE, ROWS_PER_TILE)])
    plsc.subcore_barrier()

    def ebody(j, _):
        pltpu.async_copy(g_hbm.at[src_v.at[j]], rows_v, sem).wait()
        pltpu.sync_copy(rows_v, acc_sh.at[dst_v.at[j]], add=True)
        return 0

    lax.fori_loop(0, NCHUNK, ebody, 0)
    plsc.subcore_barrier()

    pltpu.sync_copy(acc_sh.at[pl.ds(s * ROWS_PER_TILE, ROWS_PER_TILE)], stage_v)
    pltpu.sync_copy(stage_v,
                    out_hbm.at[c, pl.ds(s * ROWS_PER_TILE, ROWS_PER_TILE)])


@functools.partial(
    pl.kernel,
    out_type=jax.ShapeDtypeStruct((NW * N_NODES,), jnp.float32),
    mesh=_mesh,
    scratch_types=[
        pltpu.VMEM((NCHUNK, CHUNK), jnp.int32),
        pltpu.VMEM((NCHUNK, CHUNK), jnp.int32),
        pltpu.VMEM((N_NODES,), jnp.float32),
        pltpu.VMEM((N_NODES,), jnp.float32),
    ],
    compiler_params=pltpu.CompilerParams(needs_layout_passes=False),
)
def _agg2_kernel(zd_hbm, src_hbm, dst_hbm, out_hbm, src_v, dst_v, zd_v, acc_l):
    c = lax.axis_index("c")
    s = lax.axis_index("s")
    wid = c * NS + s
    pltpu.sync_copy(zd_hbm, zd_v)
    pltpu.sync_copy(src_hbm.at[wid], src_v)
    pltpu.sync_copy(dst_hbm.at[wid], dst_v)

    zeros16 = jnp.zeros((LANES,), jnp.float32)

    def zbody(i, _):
        acc_l[pl.ds(i * LANES, LANES)] = zeros16
        return 0

    lax.fori_loop(0, N_NODES // LANES, zbody, 0)

    def ebody(r, _):
        for k in range(CHUNK // LANES):
            si = src_v[r, pl.ds(k * LANES, LANES)]
            di = dst_v[r, pl.ds(k * LANES, LANES)]
            vals = plsc.load_gather(zd_v, [si])
            plsc.addupdate_scatter(acc_l, [di], vals)
        return 0

    lax.fori_loop(0, NCHUNK, ebody, 0)
    pltpu.sync_copy(acc_l, out_hbm.at[pl.ds(wid * N_NODES, N_NODES)])


def _dense1_body(x_ref, w1_ref, degp_ref, g_ref, dinv_ref):
    ones = jnp.ones((NW, 1), jnp.float32)
    deg = lax.dot_general(degp_ref[...], ones, (((0,), (0,)), ((), ())),
                          preferred_element_type=jnp.float32) + 1.0
    dinv = lax.rsqrt(deg)
    h = jnp.dot(x_ref[...], w1_ref[...], preferred_element_type=jnp.float32)
    g_ref[...] = h * dinv
    dinv_ref[...] = dinv


_dense1 = pl.pallas_call(
    _dense1_body,
    out_shape=[
        jax.ShapeDtypeStruct((N_NODES, D_HID), jnp.float32),
        jax.ShapeDtypeStruct((N_NODES, 1), jnp.float32),
    ],
)


def _dense2_body(acc_ref, g_ref, dinv_ref, b1_ref, w2_ref, zd_ref):
    t = (acc_ref[0, :N_NODES, :D_HID] + acc_ref[1, :N_NODES, :D_HID]
         + g_ref[:, :D_HID])
    out1 = jnp.maximum(t * dinv_ref[...] + b1_ref[...][None, :], 0.0)
    z = jnp.dot(out1, w2_ref[...], preferred_element_type=jnp.float32)
    zd_ref[...] = z * dinv_ref[...]


_dense2 = pl.pallas_call(
    _dense2_body,
    out_shape=jax.ShapeDtypeStruct((N_NODES, 1), jnp.float32),
)


def _dense3_body(accp_ref, zd_ref, dinv_ref, b2_ref, out_ref):
    ones = jnp.ones((NW, 1), jnp.float32)
    acc2 = lax.dot_general(accp_ref[...], ones, (((0,), (0,)), ((), ())),
                           preferred_element_type=jnp.float32)
    v = (acc2 + zd_ref[...]) * dinv_ref[...] + b2_ref[...]
    out_ref[...] = jax.nn.sigmoid(v)


_dense3 = pl.pallas_call(
    _dense3_body,
    out_shape=jax.ShapeDtypeStruct((N_NODES, 1), jnp.float32),
)


def kernel(x, edge_index, W1, b1, W2, b2):
    src = edge_index[0].astype(jnp.int32).reshape(NW, NCHUNK, CHUNK)
    dst = edge_index[1].astype(jnp.int32).reshape(NW, NCHUNK, CHUNK)
    zeros = jnp.zeros((ROWS_PER_TILE, D_HID), jnp.float32)

    degp = _deg_kernel(dst).reshape(NW, N_NODES)
    g, dinv = _dense1(x, W1, degp)
    acc = _agg1_kernel(g, src, dst, zeros)
    zd = _dense2(acc, g, dinv, b1, W2)
    accp = _agg2_kernel(zd.reshape(N_NODES), src, dst).reshape(NW, N_NODES)
    out = _dense3(accp, zd, dinv, b2)
    return out

# --- scband reference (transcript-rebuilt; emitter-appended) ---
"""Pipeline reference for scband-gnnvoting-model-31653908971548 (READ-ONLY COPY).

The authoritative reference and input builder live on the scoring server;
editing this copy changes nothing except your own understanding.
"""

import jax, jax.numpy as jnp
import numpy as np

N_NODES = 10000
N_EDGES = 320000
D_IN = 128
D_HID = 64


def gcn_conv(x, src, dst, W, b):
    n = x.shape[0]
    # add self loops
    loop = jnp.arange(n, dtype=src.dtype)
    s = jnp.concatenate([src, loop])
    d = jnp.concatenate([dst, loop])
    # linear transform first (PyG GCNConv)
    h = x @ W
    # symmetric normalization deg^{-1/2} A_hat deg^{-1/2}
    deg = jnp.zeros((n,), dtype=x.dtype).at[d].add(1.0)
    dinv = jnp.where(deg > 0, 1.0 / jnp.sqrt(deg), 0.0)
    norm = dinv[s] * dinv[d]
    msg = h[s] * norm[:, None]
    out = jnp.zeros((n, W.shape[1]), dtype=x.dtype).at[d].add(msg)
    return out + b


def setup_inputs(seed: int = 0) -> dict:
    key = jax.random.key(seed)
    k1, k2, k3, k4 = jax.random.split(key, 4)
    x = jax.random.normal(k1, (N_NODES, D_IN), dtype=jnp.float32)
    edge_index = jax.random.randint(k2, (2, N_EDGES), 0, N_NODES, dtype=jnp.int64)
    W1 = jax.random.normal(k3, (D_IN, D_HID), dtype=jnp.float32) * (1.0 / np.sqrt(D_IN))
    b1 = jnp.zeros((D_HID,), dtype=jnp.float32)
    W2 = jax.random.normal(k4, (D_HID, 1), dtype=jnp.float32) * (1.0 / np.sqrt(D_HID))
    b2 = jnp.zeros((1,), dtype=jnp.float32)
    return {"x": x, "edge_index": edge_index, "W1": W1, "b1": b1, "W2": W2, "b2": b2}


def reference(x, edge_index, W1, b1, W2, b2):
    src = edge_index[0]
    dst = edge_index[1]
    # layer 1: GCNConv(input_dim, hidden_dim) + relu (dropout inactive in eval)
    h = gcn_conv(x, src, dst, W1, b1)
    h = jax.nn.relu(h)
    # layer 2: GCNConv(hidden_dim, 1) + sigmoid
    out = gcn_conv(h, src, dst, W2, b2)
    return jax.nn.sigmoid(out)

if __name__ == "__main__":
    import jax
    _d = setup_inputs()
    print(jax.jit(kernel)(*tuple(_d.values())))

</pallas_src>

<mosaic_0001>
#map = affine_map<(d0, d1) -> (0)>
#map1 = affine_map<(d0, d1) -> (0, 0, 0)>
module attributes {stable_mosaic.version = 14 : i64} {
  func.func @_agg2_kernel(%arg0: i32, %arg1: i32, %arg2: memref<10000xf32, #tpu.memory_space<hbm>>, %arg3: memref<32x125x80xi32, #tpu.memory_space<hbm>>, %arg4: memref<32x125x80xi32, #tpu.memory_space<hbm>>, %arg5: memref<320000xf32, #tpu.memory_space<hbm>>, %arg6: memref<125x80xi32, #tpu.memory_space<vmem>>, %arg7: memref<125x80xi32, #tpu.memory_space<vmem>>, %arg8: memref<10000xf32, #tpu.memory_space<vmem>>, %arg9: memref<10000xf32, #tpu.memory_space<vmem>>) attributes {dimension_semantics = [#tpu.dimension_semantics<core_parallel>, #tpu.dimension_semantics<subcore_parallel>], iteration_bounds = array<i64: 2, 16>, scalar_prefetch = 0 : i64, scratch_operands = 4 : i64, tpu.core_type = #tpu.core_type<sc_vector_subcore>, window_params = [{transform_indices = #map}, {transform_indices = #map1}, {transform_indices = #map1}, {transform_indices = #map}]} {
    %mul3A = arith.constant 16 : i32
    %mul3A_0 = arith.muli %arg0, %mul3A : i32
    %add3A = arith.addi %mul3A_0, %arg1 : i32
    "tpu.region"() ({
      %run_scoped3A = tpu.sem_alloc : memref<!tpu.dma_semaphore, #tpu.memory_space<semaphore_mem>>
      tpu.enqueue_dma source(%arg2 : memref<10000xf32, #tpu.memory_space<hbm>>) target(%arg8 : memref<10000xf32, #tpu.memory_space<vmem>>) target_semaphore(%run_scoped3A : memref<!tpu.dma_semaphore, #tpu.memory_space<semaphore_mem>>)
      tpu.wait_dma2 semaphore(%run_scoped3A : memref<!tpu.dma_semaphore, #tpu.memory_space<semaphore_mem>>) src(%arg2 : memref<10000xf32, #tpu.memory_space<hbm>>) dst(%arg8 : memref<10000xf32, #tpu.memory_space<vmem>>)
      tpu.yield
    }) : () -> ()
    "tpu.region"() ({
      %run_scoped3A = tpu.sem_alloc : memref<!tpu.dma_semaphore, #tpu.memory_space<semaphore_mem>>
      %dma_start3A = arith.constant 0 : i32
      %dma_start3A_17 = arith.constant 0 : i32
      %dma_start3A_18 = tpu.memref_slice %arg3[%add3A, %dma_start3A, %dma_start3A_17] : memref<32x125x80xi32, #tpu.memory_space<hbm>> -> memref<1x125x80xi32, #tpu.memory_space<hbm>>
      %dma_start3A_19 = tpu.memref_squeeze %dma_start3A_18 : memref<1x125x80xi32, #tpu.memory_space<hbm>> -> memref<125x80xi32, #tpu.memory_space<hbm>>
      %dma_start3A_20 = arith.constant 0 : i32
      %dma_start3A_21 = arith.constant 0 : i32
      %dma_start3A_22 = tpu.memref_slice %arg3[%add3A, %dma_start3A_20, %dma_start3A_21] : memref<32x125x80xi32, #tpu.memory_space<hbm>> -> memref<1x125x80xi32, #tpu.memory_space<hbm>>
      %dma_start3A_23 = tpu.memref_squeeze %dma_start3A_22 : memref<1x125x80xi32, #tpu.memory_space<hbm>> -> memref<125x80xi32, #tpu.memory_space<hbm>>
      tpu.enqueue_dma source(%dma_start3A_23 : memref<125x80xi32, #tpu.memory_space<hbm>>) target(%arg6 : memref<125x80xi32, #tpu.memory_space<vmem>>) target_semaphore(%run_scoped3A : memref<!tpu.dma_semaphore, #tpu.memory_space<semaphore_mem>>)
      %dma_wait3A = arith.constant 0 : i32
      %dma_wait3A_24 = arith.constant 0 : i32
      %dma_wait3A_25 = tpu.memref_slice %arg3[%add3A, %dma_wait3A, %dma_wait3A_24] : memref<32x125x80xi32, #tpu.memory_space<hbm>> -> memref<1x125x80xi32, #tpu.memory_space<hbm>>
      %dma_wait3A_26 = tpu.memref_squeeze %dma_wait3A_25 : memref<1x125x80xi32, #tpu.memory_space<hbm>> -> memref<125x80xi32, #tpu.memory_space<hbm>>
      %dma_wait3A_27 = arith.constant 0 : i32
      %dma_wait3A_28 = arith.constant 0 : i32
      %dma_wait3A_29 = tpu.memref_slice %arg3[%add3A, %dma_wait3A_27, %dma_wait3A_28] : memref<32x125x80xi32, #tpu.memory_space<hbm>> -> memref<1x125x80xi32, #tpu.memory_space<hbm>>
      %dma_wait3A_30 = tpu.memref_squeeze %dma_wait3A_29 : memref<1x125x80xi32, #tpu.memory_space<hbm>> -> memref<125x80xi32, #tpu.memory_space<hbm>>
      tpu.wait_dma2 semaphore(%run_scoped3A : memref<!tpu.dma_semaphore, #tpu.memory_space<semaphore_mem>>) src(%dma_wait3A_30 : memref<125x80xi32, #tpu.memory_space<hbm>>) dst(%arg6 : memref<125x80xi32, #tpu.memory_space<vmem>>)
      tpu.yield
    }) : () -> ()
    "tpu.region"() ({
      %run_scoped3A = tpu.sem_alloc : memref<!tpu.dma_semaphore, #tpu.memory_space<semaphore_mem>>
      %dma_start3A = arith.constant 0 : i32
      %dma_start3A_17 = arith.constant 0 : i32
      %dma_start3A_18 = tpu.memref_slice %arg4[%add3A, %dma_start3A, %dma_start3A_17] : memref<32x125x80xi32, #tpu.memory_space<hbm>> -> memref<1x125x80xi32, #tpu.memory_space<hbm>>
      %dma_start3A_19 = tpu.memref_squeeze %dma_start3A_18 : memref<1x125x80xi32, #tpu.memory_space<hbm>> -> memref<125x80xi32, #tpu.memory_space<hbm>>
      %dma_start3A_20 = arith.constant 0 : i32
      %dma_start3A_21 = arith.constant 0 : i32
      %dma_start3A_22 = tpu.memref_slice %arg4[%add3A, %dma_start3A_20, %dma_start3A_21] : memref<32x125x80xi32, #tpu.memory_space<hbm>> -> memref<1x125x80xi32, #tpu.memory_space<hbm>>
      %dma_start3A_23 = tpu.memref_squeeze %dma_start3A_22 : memref<1x125x80xi32, #tpu.memory_space<hbm>> -> memref<125x80xi32, #tpu.memory_space<hbm>>
      tpu.enqueue_dma source(%dma_start3A_23 : memref<125x80xi32, #tpu.memory_space<hbm>>) target(%arg7 : memref<125x80xi32, #tpu.memory_space<vmem>>) target_semaphore(%run_scoped3A : memref<!tpu.dma_semaphore, #tpu.memory_space<semaphore_mem>>)
      %dma_wait3A = arith.constant 0 : i32
      %dma_wait3A_24 = arith.constant 0 : i32
      %dma_wait3A_25 = tpu.memref_slice %arg4[%add3A, %dma_wait3A, %dma_wait3A_24] : memref<32x125x80xi32, #tpu.memory_space<hbm>> -> memref<1x125x80xi32, #tpu.memory_space<hbm>>
      %dma_wait3A_26 = tpu.memref_squeeze %dma_wait3A_25 : memref<1x125x80xi32, #tpu.memory_space<hbm>> -> memref<125x80xi32, #tpu.memory_space<hbm>>
      %dma_wait3A_27 = arith.constant 0 : i32
      %dma_wait3A_28 = arith.constant 0 : i32
      %dma_wait3A_29 = tpu.memref_slice %arg4[%add3A, %dma_wait3A_27, %dma_wait3A_28] : memref<32x125x80xi32, #tpu.memory_space<hbm>> -> memref<1x125x80xi32, #tpu.memory_space<hbm>>
      %dma_wait3A_30 = tpu.memref_squeeze %dma_wait3A_29 : memref<1x125x80xi32, #tpu.memory_space<hbm>> -> memref<125x80xi32, #tpu.memory_space<hbm>>
      tpu.wait_dma2 semaphore(%run_scoped3A : memref<!tpu.dma_semaphore, #tpu.memory_space<semaphore_mem>>) src(%dma_wait3A_30 : memref<125x80xi32, #tpu.memory_space<hbm>>) dst(%arg7 : memref<125x80xi32, #tpu.memory_space<vmem>>)
      tpu.yield
    }) : () -> ()
    %broadcast_in_dim3A = arith.constant 0.000000e+00 : f32
    %broadcast_in_dim3A_1 = vector.broadcast %broadcast_in_dim3A : f32 to vector<16xf32>
    %scan3A = arith.constant 0 : i32
    %scan3A_2 = arith.constant 0 : i32
    %scan3A_3 = arith.constant 625 : i32
    %scan3A_4 = arith.addi %scan3A_2, %scan3A_3 : i32
    %scan3A_5 = arith.constant 1 : i32
    %scan3A_6 = scf.for %scan3A_17 = %scan3A_2 to %scan3A_4 step %scan3A_5 iter_args(%scan3A_18 = %scan3A) -> (i32)  : i32 {
      %mul3A_19 = arith.constant 16 : i32
      %mul3A_20 = arith.muli %scan3A_17, %mul3A_19 : i32
      %swap3A = arith.index_cast %mul3A_20 : i32 to index
      %swap3A_21 = tpu.vector_load %arg9[%swap3A] {strides = array<i32>} : memref<10000xf32, #tpu.memory_space<vmem>>, vector<16xf32>,
      tpu.vector_store %arg9[%swap3A], %broadcast_in_dim3A_1 {strides = array<i32>} : memref<10000xf32, #tpu.memory_space<vmem>>, vector<16xf32>,
      %scan3A_22 = arith.constant 0 : i32
      scf.yield %scan3A_22 : i32
    }
    %scan3A_7 = arith.constant 625 : i32
    %scan3A_8 = arith.constant 0 : i32
    %scan3A_9 = arith.constant 0 : i32
    %scan3A_10 = arith.constant 125 : i32
    %scan3A_11 = arith.addi %scan3A_9, %scan3A_10 : i32
    %scan3A_12 = arith.constant 1 : i32
    %scan3A_13 = scf.for %scan3A_17 = %scan3A_9 to %scan3A_11 step %scan3A_12 iter_args(%scan3A_18 = %scan3A_8) -> (i32)  : i32 {
      %get3A = arith.index_cast %scan3A_17 : i32 to index
      %get3A_19 = arith.constant 0 : index
      %get3A_20 = tpu.vector_load %arg6[%get3A, %get3A_19] {strides = array<i32>} : memref<125x80xi32, #tpu.memory_space<vmem>>, vector<16xi32>,
      %get3A_21 = arith.index_cast %scan3A_17 : i32 to index
      %get3A_22 = arith.constant 0 : index
      %get3A_23 = tpu.vector_load %arg7[%get3A_21, %get3A_22] {strides = array<i32>} : memref<125x80xi32, #tpu.memory_space<vmem>>, vector<16xi32>,
      %gather3A = tpu.vector_load_idx %arg8[%get3A_20] : memref<10000xf32, #tpu.memory_space<vmem>>[vector<16xi32>], vector<16xf32>,
      tpu.vector_store_idx %arg9[%get3A_23], %gather3A {add = true} : memref<10000xf32, #tpu.memory_space<vmem>>[vector<16xi32>], vector<16xf32>,
      %get3A_24 = arith.index_cast %scan3A_17 : i32 to index
      %get3A_25 = arith.constant 16 : index
      %get3A_26 = tpu.vector_load %arg6[%get3A_24, %get3A_25] {strides = array<i32>} : memref<125x80xi32, #tpu.memory_space<vmem>>, vector<16xi32>,
      %get3A_27 = arith.index_cast %scan3A_17 : i32 to index
      %get3A_28 = arith.constant 16 : index
      %get3A_29 = tpu.vector_load %arg7[%get3A_27, %get3A_28] {strides = array<i32>} : memref<125x80xi32, #tpu.memory_space<vmem>>, vector<16xi32>,
      %gather3A_30 = tpu.vector_load_idx %arg8[%get3A_26] : memref<10000xf32, #tpu.memory_space<vmem>>[vector<16xi32>], vector<16xf32>,
      tpu.vector_store_idx %arg9[%get3A_29], %gather3A_30 {add = true} : memref<10000xf32, #tpu.memory_space<vmem>>[vector<16xi32>], vector<16xf32>,
      %get3A_31 = arith.index_cast %scan3A_17 : i32 to index
      %get3A_32 = arith.constant 32 : index
      %get3A_33 = tpu.vector_load %arg6[%get3A_31, %get3A_32] {strides = array<i32>} : memref<125x80xi32, #tpu.memory_space<vmem>>, vector<16xi32>,
      %get3A_34 = arith.index_cast %scan3A_17 : i32 to index
      %get3A_35 = arith.constant 32 : index
      %get3A_36 = tpu.vector_load %arg7[%get3A_34, %get3A_35] {strides = array<i32>} : memref<125x80xi32, #tpu.memory_space<vmem>>, vector<16xi32>,
      %gather3A_37 = tpu.vector_load_idx %arg8[%get3A_33] : memref<10000xf32, #tpu.memory_space<vmem>>[vector<16xi32>], vector<16xf32>,
      tpu.vector_store_idx %arg9[%get3A_36], %gather3A_37 {add = true} : memref<10000xf32, #tpu.memory_space<vmem>>[vector<16xi32>], vector<16xf32>,
      %get3A_38 = arith.index_cast %scan3A_17 : i32 to index
      %get3A_39 = arith.constant 48 : index
      %get3A_40 = tpu.vector_load %arg6[%get3A_38, %get3A_39] {strides = array<i32>} : memref<125x80xi32, #tpu.memory_space<vmem>>, vector<16xi32>,
      %get3A_41 = arith.index_cast %scan3A_17 : i32 to index
      %get3A_42 = arith.constant 48 : index
      %get3A_43 = tpu.vector_load %arg7[%get3A_41, %get3A_42] {strides = array<i32>} : memref<125x80xi32, #tpu.memory_space<vmem>>, vector<16xi32>,
      %gather3A_44 = tpu.vector_load_idx %arg8[%get3A_40] : memref<10000xf32, #tpu.memory_space<vmem>>[vector<16xi32>], vector<16xf32>,
      tpu.vector_store_idx %arg9[%get3A_43], %gather3A_44 {add = true} : memref<10000xf32, #tpu.memory_space<vmem>>[vector<16xi32>], vector<16xf32>,
      %get3A_45 = arith.index_cast %scan3A_17 : i32 to index
      %get3A_46 = arith.constant 64 : index
      %get3A_47 = tpu.vector_load %arg6[%get3A_45, %get3A_46] {strides = array<i32>} : memref<125x80xi32, #tpu.memory_space<vmem>>, vector<16xi32>,
      %get3A_48 = arith.index_cast %scan3A_17 : i32 to index
      %get3A_49 = arith.constant 64 : index
      %get3A_50 = tpu.vector_load %arg7[%get3A_48, %get3A_49] {strides = array<i32>} : memref<125x80xi32, #tpu.memory_space<vmem>>, vector<16xi32>,
      %gather3A_51 = tpu.vector_load_idx %arg8[%get3A_47] : memref<10000xf32, #tpu.memory_space<vmem>>[vector<16xi32>], vector<16xf32>,
      tpu.vector_store_idx %arg9[%get3A_50], %gather3A_51 {add = true} : memref<10000xf32, #tpu.memory_space<vmem>>[vector<16xi32>], vector<16xf32>,
      %scan3A_52 = arith.constant 0 : i32
      scf.yield %scan3A_52 : i32
    }
    %scan3A_14 = arith.constant 125 : i32
    %mul3A_15 = arith.constant 10000 : i32
    %mul3A_16 = arith.muli %add3A, %mul3A_15 : i32
    "tpu.region"() ({
      %run_scoped3A = tpu.sem_alloc : memref<!tpu.dma_semaphore, #tpu.memory_space<semaphore_mem>>
      %dma_start3A = tpu.memref_slice %arg5[%mul3A_16] : memref<320000xf32, #tpu.memory_space<hbm>> -> memref<10000xf32, #tpu.memory_space<hbm>>
      %dma_start3A_17 = tpu.memref_slice %arg5[%mul3A_16] : memref<320000xf32, #tpu.memory_space<hbm>> -> memref<10000xf32, #tpu.memory_space<hbm>>
      tpu.enqueue_dma source(%arg9 : memref<10000xf32, #tpu.memory_space<vmem>>) target(%dma_start3A_17 : memref<10000xf32, #tpu.memory_space<hbm>>) target_semaphore(%run_scoped3A : memref<!tpu.dma_semaphore, #tpu.memory_space<semaphore_mem>>)
      %dma_wait3A = tpu.memref_slice %arg5[%mul3A_16] : memref<320000xf32, #tpu.memory_space<hbm>> -> memref<10000xf32, #tpu.memory_space<hbm>>
      %dma_wait3A_18 = tpu.memref_slice %arg5[%mul3A_16] : memref<320000xf32, #tpu.memory_space<hbm>> -> memref<10000xf32, #tpu.memory_space<hbm>>
      tpu.wait_dma2 semaphore(%run_scoped3A : memref<!tpu.dma_semaphore, #tpu.memory_space<semaphore_mem>>) src(%arg9 : memref<10000xf32, #tpu.memory_space<vmem>>) dst(%dma_wait3A_18 : memref<10000xf32, #tpu.memory_space<hbm>>)
      tpu.yield
    }) : () -> ()
    return
  }
}

#map = affine_map<(d0, d1) -> (0, 0, 0)>
#map1 = affine_map<(d0, d1) -> (0)>
module attributes {stable_mosaic.version = 14 : i64} {
  func.func @_deg_kernel(%arg0: i32, %arg1: i32, %arg2: memref<32x125x80xi32, #tpu.memory_space<hbm>>, %arg3: memref<320000xf32, #tpu.memory_space<hbm>>, %arg4: memref<125x80xi32, #tpu.memory_space<vmem>>, %arg5: memref<10000xf32, #tpu.memory_space<vmem>>) attributes {dimension_semantics = [#tpu.dimension_semantics<core_parallel>, #tpu.dimension_semantics<subcore_parallel>], iteration_bounds = array<i64: 2, 16>, scalar_prefetch = 0 : i64, scratch_operands = 2 : i64, tpu.core_type = #tpu.core_type<sc_vector_subcore>, window_params = [{transform_indices = #map}, {transform_indices = #map1}]} {
    %mul3A = arith.constant 16 : i32
    %mul3A_0 = arith.muli %arg0, %mul3A : i32
    %add3A = arith.addi %mul3A_0, %arg1 : i32
    "tpu.region"() ({
      %run_scoped3A = tpu.sem_alloc : memref<!tpu.dma_semaphore, #tpu.memory_space<semaphore_mem>>
      %dma_start3A = arith.constant 0 : i32
      %dma_start3A_19 = arith.constant 0 : i32
      %dma_start3A_20 = tpu.memref_slice %arg2[%add3A, %dma_start3A, %dma_start3A_19] : memref<32x125x80xi32, #tpu.memory_space<hbm>> -> memref<1x125x80xi32, #tpu.memory_space<hbm>>
      %dma_start3A_21 = tpu.memref_squeeze %dma_start3A_20 : memref<1x125x80xi32, #tpu.memory_space<hbm>> -> memref<125x80xi32, #tpu.memory_space<hbm>>
      %dma_start3A_22 = arith.constant 0 : i32
      %dma_start3A_23 = arith.constant 0 : i32
      %dma_start3A_24 = tpu.memref_slice %arg2[%add3A, %dma_start3A_22, %dma_start3A_23] : memref<32x125x80xi32, #tpu.memory_space<hbm>> -> memref<1x125x80xi32, #tpu.memory_space<hbm>>
      %dma_start3A_25 = tpu.memref_squeeze %dma_start3A_24 : memref<1x125x80xi32, #tpu.memory_space<hbm>> -> memref<125x80xi32, #tpu.memory_space<hbm>>
      tpu.enqueue_dma source(%dma_start3A_25 : memref<125x80xi32, #tpu.memory_space<hbm>>) target(%arg4 : memref<125x80xi32, #tpu.memory_space<vmem>>) target_semaphore(%run_scoped3A : memref<!tpu.dma_semaphore, #tpu.memory_space<semaphore_mem>>)
      %dma_wait3A = arith.constant 0 : i32
      %dma_wait3A_26 = arith.constant 0 : i32
      %dma_wait3A_27 = tpu.memref_slice %arg2[%add3A, %dma_wait3A, %dma_wait3A_26] : memref<32x125x80xi32, #tpu.memory_space<hbm>> -> memref<1x125x80xi32, #tpu.memory_space<hbm>>
      %dma_wait3A_28 = tpu.memref_squeeze %dma_wait3A_27 : memref<1x125x80xi32, #tpu.memory_space<hbm>> -> memref<125x80xi32, #tpu.memory_space<hbm>>
      %dma_wait3A_29 = arith.constant 0 : i32
      %dma_wait3A_30 = arith.constant 0 : i32
      %dma_wait3A_31 = tpu.memref_slice %arg2[%add3A, %dma_wait3A_29, %dma_wait3A_30] : memref<32x125x80xi32, #tpu.memory_space<hbm>> -> memref<1x125x80xi32, #tpu.memory_space<hbm>>
      %dma_wait3A_32 = tpu.memref_squeeze %dma_wait3A_31 : memref<1x125x80xi32, #tpu.memory_space<hbm>> -> memref<125x80xi32, #tpu.memory_space<hbm>>
      tpu.wait_dma2 semaphore(%run_scoped3A : memref<!tpu.dma_semaphore, #tpu.memory_space<semaphore_mem>>) src(%dma_wait3A_32 : memref<125x80xi32, #tpu.memory_space<hbm>>) dst(%arg4 : memref<125x80xi32, #tpu.memory_space<vmem>>)
      tpu.yield
    }) : () -> ()
    %broadcast_in_dim3A = arith.constant 0.000000e+00 : f32
    %broadcast_in_dim3A_1 = vector.broadcast %broadcast_in_dim3A : f32 to vector<16xf32>
    %scan3A = arith.constant 0 : i32
    %scan3A_2 = arith.constant 0 : i32
    %scan3A_3 = arith.constant 625 : i32
    %scan3A_4 = arith.addi %scan3A_2, %scan3A_3 : i32
    %scan3A_5 = arith.constant 1 : i32
    %scan3A_6 = scf.for %scan3A_19 = %scan3A_2 to %scan3A_4 step %scan3A_5 iter_args(%scan3A_20 = %scan3A) -> (i32)  : i32 {
      %mul3A_21 = arith.constant 16 : i32
      %mul3A_22 = arith.muli %scan3A_19, %mul3A_21 : i32
      %swap3A = arith.index_cast %mul3A_22 : i32 to index
      %swap3A_23 = tpu.vector_load %arg5[%swap3A] {strides = array<i32>} : memref<10000xf32, #tpu.memory_space<vmem>>, vector<16xf32>,
      tpu.vector_store %arg5[%swap3A], %broadcast_in_dim3A_1 {strides = array<i32>} : memref<10000xf32, #tpu.memory_space<vmem>>, vector<16xf32>,
      %scan3A_24 = arith.constant 0 : i32
      scf.yield %scan3A_24 : i32
    }
    %scan3A_7 = arith.constant 625 : i32
    %broadcast_in_dim3A_8 = arith.constant 1.000000e+00 : f32
    %broadcast_in_dim3A_9 = vector.broadcast %broadcast_in_dim3A_8 : f32 to vector<16xf32>
    %scan3A_10 = arith.constant 0 : i32
    %scan3A_11 = arith.constant 0 : i32
    %scan3A_12 = arith.constant 125 : i32
    %scan3A_13 = arith.addi %scan3A_11, %scan3A_12 : i32
    %scan3A_14 = arith.constant 1 : i32
    %scan3A_15 = scf.for %scan3A_19 = %scan3A_11 to %scan3A_13 step %scan3A_14 iter_args(%scan3A_20 = %scan3A_10) -> (i32)  : i32 {
      %get3A = arith.index_cast %scan3A_19 : i32 to index
      %get3A_21 = arith.constant 0 : index
      %get3A_22 = tpu.vector_load %arg4[%get3A, %get3A_21] {strides = array<i32>} : memref<125x80xi32, #tpu.memory_space<vmem>>, vector<16xi32>,
      tpu.vector_store_idx %arg5[%get3A_22], %broadcast_in_dim3A_9 {add = true} : memref<10000xf32, #tpu.memory_space<vmem>>[vector<16xi32>], vector<16xf32>,
      %get3A_23 = arith.index_cast %scan3A_19 : i32 to index
      %get3A_24 = arith.constant 16 : index
      %get3A_25 = tpu.vector_load %arg4[%get3A_23, %get3A_24] {strides = array<i32>} : memref<125x80xi32, #tpu.memory_space<vmem>>, vector<16xi32>,
      tpu.vector_store_idx %arg5[%get3A_25], %broadcast_in_dim3A_9 {add = true} : memref<10000xf32, #tpu.memory_space<vmem>>[vector<16xi32>], vector<16xf32>,
      %get3A_26 = arith.index_cast %scan3A_19 : i32 to index
      %get3A_27 = arith.constant 32 : index
      %get3A_28 = tpu.vector_load %arg4[%get3A_26, %get3A_27] {strides = array<i32>} : memref<125x80xi32, #tpu.memory_space<vmem>>, vector<16xi32>,
      tpu.vector_store_idx %arg5[%get3A_28], %broadcast_in_dim3A_9 {add = true} : memref<10000xf32, #tpu.memory_space<vmem>>[vector<16xi32>], vector<16xf32>,
      %get3A_29 = arith.index_cast %scan3A_19 : i32 to index
      %get3A_30 = arith.constant 48 : index
      %get3A_31 = tpu.vector_load %arg4[%get3A_29, %get3A_30] {strides = array<i32>} : memref<125x80xi32, #tpu.memory_space<vmem>>, vector<16xi32>,
      tpu.vector_store_idx %arg5[%get3A_31], %broadcast_in_dim3A_9 {add = true} : memref<10000xf32, #tpu.memory_space<vmem>>[vector<16xi32>], vector<16xf32>,
      %get3A_32 = arith.index_cast %scan3A_19 : i32 to index
      %get3A_33 = arith.constant 64 : index
      %get3A_34 = tpu.vector_load %arg4[%get3A_32, %get3A_33] {strides = array<i32>} : memref<125x80xi32, #tpu.memory_space<vmem>>, vector<16xi32>,
      tpu.vector_store_idx %arg5[%get3A_34], %broadcast_in_dim3A_9 {add = true} : memref<10000xf32, #tpu.memory_space<vmem>>[vector<16xi32>], vector<16xf32>,
      %scan3A_35 = arith.constant 0 : i32
      scf.yield %scan3A_35 : i32
    }
    %scan3A_16 = arith.constant 125 : i32
    %mul3A_17 = arith.constant 10000 : i32
    %mul3A_18 = arith.muli %add3A, %mul3A_17 : i32
    "tpu.region"() ({
      %run_scoped3A = tpu.sem_alloc : memref<!tpu.dma_semaphore, #tpu.memory_space<semaphore_mem>>
      %dma_start3A = tpu.memref_slice %arg3[%mul3A_18] : memref<320000xf32, #tpu.memory_space<hbm>> -> memref<10000xf32, #tpu.memory_space<hbm>>
      %dma_start3A_19 = tpu.memref_slice %arg3[%mul3A_18] : memref<320000xf32, #tpu.memory_space<hbm>> -> memref<10000xf32, #tpu.memory_space<hbm>>
      tpu.enqueue_dma source(%arg5 : memref<10000xf32, #tpu.memory_space<vmem>>) target(%dma_start3A_19 : memref<10000xf32, #tpu.memory_space<hbm>>) target_semaphore(%run_scoped3A : memref<!tpu.dma_semaphore, #tpu.memory_space<semaphore_mem>>)
      %dma_wait3A = tpu.memref_slice %arg3[%mul3A_18] : memref<320000xf32, #tpu.memory_space<hbm>> -> memref<10000xf32, #tpu.memory_space<hbm>>
      %dma_wait3A_20 = tpu.memref_slice %arg3[%mul3A_18] : memref<320000xf32, #tpu.memory_space<hbm>> -> memref<10000xf32, #tpu.memory_space<hbm>>
      tpu.wait_dma2 semaphore(%run_scoped3A : memref<!tpu.dma_semaphore, #tpu.memory_space<semaphore_mem>>) src(%arg5 : memref<10000xf32, #tpu.memory_space<vmem>>) dst(%dma_wait3A_20 : memref<10000xf32, #tpu.memory_space<hbm>>)
      tpu.yield
    }) : () -> ()
    return
  }
}

#map = affine_map<(d0, d1) -> (0, 0)>
#map1 = affine_map<(d0, d1) -> (0, 0, 0)>
module attributes {stable_mosaic.version = 14 : i64} {
  func.func @_agg1_kernel(%arg0: i32, %arg1: i32, %arg2: memref<10000x64xf32, #tpu.memory_space<hbm>>, %arg3: memref<32x125x80xi32, #tpu.memory_space<hbm>>, %arg4: memref<32x125x80xi32, #tpu.memory_space<hbm>>, %arg5: memref<640x64xf32, #tpu.memory_space<hbm>>, %arg6: memref<2x10240x64xf32, #tpu.memory_space<hbm>>, %arg7: memref<125x80xi32, #tpu.memory_space<vmem>>, %arg8: memref<125x80xi32, #tpu.memory_space<vmem>>, %arg9: memref<80x64xf32, #tpu.memory_space<vmem>>, %arg10: memref<640x64xf32, #tpu.memory_space<vmem>>, %arg11: memref<10240x64xf32, #tpu.memory_space<vmem_shared>>, %arg12: memref<!tpu.dma_semaphore, #tpu.memory_space<semaphore_mem>>) attributes {dimension_semantics = [#tpu.dimension_semantics<core_parallel>, #tpu.dimension_semantics<subcore_parallel>], iteration_bounds = array<i64: 2, 16>, scalar_prefetch = 0 : i64, scratch_operands = 6 : i64, tpu.core_type = #tpu.core_type<sc_vector_subcore>, window_params = [{transform_indices = #map}, {transform_indices = #map1}, {transform_indices = #map1}, {transform_indices = #map}, {transform_indices = #map1}]} {
    %mul3A = arith.constant 16 : i32
    %mul3A_0 = arith.muli %arg0, %mul3A : i32
    %add3A = arith.addi %mul3A_0, %arg1 : i32
    "tpu.region"() ({
      %run_scoped3A = tpu.sem_alloc : memref<!tpu.dma_semaphore, #tpu.memory_space<semaphore_mem>>
      %dma_start3A = arith.constant 0 : i32
      %dma_start3A_14 = arith.constant 0 : i32
      %dma_start3A_15 = tpu.memref_slice %arg3[%add3A, %dma_start3A, %dma_start3A_14] : memref<32x125x80xi32, #tpu.memory_space<hbm>> -> memref<1x125x80xi32, #tpu.memory_space<hbm>>
      %dma_start3A_16 = tpu.memref_squeeze %dma_start3A_15 : memref<1x125x80xi32, #tpu.memory_space<hbm>> -> memref<125x80xi32, #tpu.memory_space<hbm>>
      %dma_start3A_17 = arith.constant 0 : i32
      %dma_start3A_18 = arith.constant 0 : i32
      %dma_start3A_19 = tpu.memref_slice %arg3[%add3A, %dma_start3A_17, %dma_start3A_18] : memref<32x125x80xi32, #tpu.memory_space<hbm>> -> memref<1x125x80xi32, #tpu.memory_space<hbm>>
      %dma_start3A_20 = tpu.memref_squeeze %dma_start3A_19 : memref<1x125x80xi32, #tpu.memory_space<hbm>> -> memref<125x80xi32, #tpu.memory_space<hbm>>
      tpu.enqueue_dma source(%dma_start3A_20 : memref<125x80xi32, #tpu.memory_space<hbm>>) target(%arg7 : memref<125x80xi32, #tpu.memory_space<vmem>>) target_semaphore(%run_scoped3A : memref<!tpu.dma_semaphore, #tpu.memory_space<semaphore_mem>>)
      %dma_wait3A = arith.constant 0 : i32
      %dma_wait3A_21 = arith.constant 0 : i32
      %dma_wait3A_22 = tpu.memref_slice %arg3[%add3A, %dma_wait3A, %dma_wait3A_21] : memref<32x125x80xi32, #tpu.memory_space<hbm>> -> memref<1x125x80xi32, #tpu.memory_space<hbm>>
      %dma_wait3A_23 = tpu.memref_squeeze %dma_wait3A_22 : memref<1x125x80xi32, #tpu.memory_space<hbm>> -> memref<125x80xi32, #tpu.memory_space<hbm>>
      %dma_wait3A_24 = arith.constant 0 : i32
      %dma_wait3A_25 = arith.constant 0 : i32
      %dma_wait3A_26 = tpu.memref_slice %arg3[%add3A, %dma_wait3A_24, %dma_wait3A_25] : memref<32x125x80xi32, #tpu.memory_space<hbm>> -> memref<1x125x80xi32, #tpu.memory_space<hbm>>
      %dma_wait3A_27 = tpu.memref_squeeze %dma_wait3A_26 : memref<1x125x80xi32, #tpu.memory_space<hbm>> -> memref<125x80xi32, #tpu.memory_space<hbm>>
      tpu.wait_dma2 semaphore(%run_scoped3A : memref<!tpu.dma_semaphore, #tpu.memory_space<semaphore_mem>>) src(%dma_wait3A_27 : memref<125x80xi32, #tpu.memory_space<hbm>>) dst(%arg7 : memref<125x80xi32, #tpu.memory_space<vmem>>)
      tpu.yield
    }) : () -> ()
    "tpu.region"() ({
      %run_scoped3A = tpu.sem_alloc : memref<!tpu.dma_semaphore, #tpu.memory_space<semaphore_mem>>
      %dma_start3A = arith.constant 0 : i32
      %dma_start3A_14 = arith.constant 0 : i32
      %dma_start3A_15 = tpu.memref_slice %arg4[%add3A, %dma_start3A, %dma_start3A_14] : memref<32x125x80xi32, #tpu.memory_space<hbm>> -> memref<1x125x80xi32, #tpu.memory_space<hbm>>
      %dma_start3A_16 = tpu.memref_squeeze %dma_start3A_15 : memref<1x125x80xi32, #tpu.memory_space<hbm>> -> memref<125x80xi32, #tpu.memory_space<hbm>>
      %dma_start3A_17 = arith.constant 0 : i32
      %dma_start3A_18 = arith.constant 0 : i32
      %dma_start3A_19 = tpu.memref_slice %arg4[%add3A, %dma_start3A_17, %dma_start3A_18] : memref<32x125x80xi32, #tpu.memory_space<hbm>> -> memref<1x125x80xi32, #tpu.memory_space<hbm>>
      %dma_start3A_20 = tpu.memref_squeeze %dma_start3A_19 : memref<1x125x80xi32, #tpu.memory_space<hbm>> -> memref<125x80xi32, #tpu.memory_space<hbm>>
      tpu.enqueue_dma source(%dma_start3A_20 : memref<125x80xi32, #tpu.memory_space<hbm>>) target(%arg8 : memref<125x80xi32, #tpu.memory_space<vmem>>) target_semaphore(%run_scoped3A : memref<!tpu.dma_semaphore, #tpu.memory_space<semaphore_mem>>)
      %dma_wait3A = arith.constant 0 : i32
      %dma_wait3A_21 = arith.constant 0 : i32
      %dma_wait3A_22 = tpu.memref_slice %arg4[%add3A, %dma_wait3A, %dma_wait3A_21] : memref<32x125x80xi32, #tpu.memory_space<hbm>> -> memref<1x125x80xi32, #tpu.memory_space<hbm>>
      %dma_wait3A_23 = tpu.memref_squeeze %dma_wait3A_22 : memref<1x125x80xi32, #tpu.memory_space<hbm>> -> memref<125x80xi32, #tpu.memory_space<hbm>>
      %dma_wait3A_24 = arith.constant 0 : i32
      %dma_wait3A_25 = arith.constant 0 : i32
      %dma_wait3A_26 = tpu.memref_slice %arg4[%add3A, %dma_wait3A_24, %dma_wait3A_25] : memref<32x125x80xi32, #tpu.memory_space<hbm>> -> memref<1x125x80xi32, #tpu.memory_space<hbm>>
      %dma_wait3A_27 = tpu.memref_squeeze %dma_wait3A_26 : memref<1x125x80xi32, #tpu.memory_space<hbm>> -> memref<125x80xi32, #tpu.memory_space<hbm>>
      tpu.wait_dma2 semaphore(%run_scoped3A : memref<!tpu.dma_semaphore, #tpu.memory_space<semaphore_mem>>) src(%dma_wait3A_27 : memref<125x80xi32, #tpu.memory_space<hbm>>) dst(%arg8 : memref<125x80xi32, #tpu.memory_space<vmem>>)
      tpu.yield
    }) : () -> ()
    "tpu.region"() ({
      %run_scoped3A = tpu.sem_alloc : memref<!tpu.dma_semaphore, #tpu.memory_space<semaphore_mem>>
      tpu.enqueue_dma source(%arg5 : memref<640x64xf32, #tpu.memory_space<hbm>>) target(%arg10 : memref<640x64xf32, #tpu.memory_space<vmem>>) target_semaphore(%run_scoped3A : memref<!tpu.dma_semaphore, #tpu.memory_space<semaphore_mem>>)
      tpu.wait_dma2 semaphore(%run_scoped3A : memref<!tpu.dma_semaphore, #tpu.memory_space<semaphore_mem>>) src(%arg5 : memref<640x64xf32, #tpu.memory_space<hbm>>) dst(%arg10 : memref<640x64xf32, #tpu.memory_space<vmem>>)
      tpu.yield
    }) : () -> ()
    %mul3A_1 = arith.constant 640 : i32
    %mul3A_2 = arith.muli %arg1, %mul3A_1 : i32
    "tpu.region"() ({
      %run_scoped3A = tpu.sem_alloc : memref<!tpu.dma_semaphore, #tpu.memory_space<semaphore_mem>>
      %dma_start3A = arith.constant 0 : i32
      %dma_start3A_14 = tpu.memref_slice %arg11[%mul3A_2, %dma_start3A] : memref<10240x64xf32, #tpu.memory_space<vmem_shared>> -> memref<640x64xf32, #tpu.memory_space<vmem_shared>>
      %dma_start3A_15 = arith.constant 0 : i32
      %dma_start3A_16 = tpu.memref_slice %arg11[%mul3A_2, %dma_start3A_15] : memref<10240x64xf32, #tpu.memory_space<vmem_shared>> -> memref<640x64xf32, #tpu.memory_space<vmem_shared>>
      tpu.enqueue_dma source(%arg10 : memref<640x64xf32, #tpu.memory_space<vmem>>) target(%dma_start3A_16 : memref<640x64xf32, #tpu.memory_space<vmem_shared>>) target_semaphore(%run_scoped3A : memref<!tpu.dma_semaphore, #tpu.memory_space<semaphore_mem>>)
      %dma_wait3A = arith.constant 0 : i32
      %dma_wait3A_17 = tpu.memref_slice %arg11[%mul3A_2, %dma_wait3A] : memref<10240x64xf32, #tpu.memory_space<vmem_shared>> -> memref<640x64xf32, #tpu.memory_space<vmem_shared>>
      %dma_wait3A_18 = arith.constant 0 : i32
      %dma_wait3A_19 = tpu.memref_slice %arg11[%mul3A_2, %dma_wait3A_18] : memref<10240x64xf32, #tpu.memory_space<vmem_shared>> -> memref<640x64xf32, #tpu.memory_space<vmem_shared>>
      tpu.wait_dma2 semaphore(%run_scoped3A : memref<!tpu.dma_semaphore, #tpu.memory_space<semaphore_mem>>) src(%arg10 : memref<640x64xf32, #tpu.memory_space<vmem>>) dst(%dma_wait3A_19 : memref<640x64xf32, #tpu.memory_space<vmem_shared>>)
      tpu.yield
    }) : () -> ()
    %barrier3A = arith.constant 0 : index
    tpu.barrier barrier_id(%barrier3A)
    %scan3A = arith.constant 0 : i32
    %scan3A_3 = arith.constant 0 : i32
    %scan3A_4 = arith.constant 125 : i32
    %scan3A_5 = arith.addi %scan3A_3, %scan3A_4 : i32
    %scan3A_6 = arith.constant 1 : i32
    %scan3A_7 = scf.for %scan3A_14 = %scan3A_3 to %scan3A_5 step %scan3A_6 iter_args(%scan3A_15 = %scan3A) -> (i32)  : i32 {
      %dma_start3A = arith.constant 0 : i32
      %dma_start3A_16 = tpu.memref_slice %arg7[%scan3A_14, %dma_start3A] : memref<125x80xi32, #tpu.memory_space<vmem>> -> memref<1x80xi32, #tpu.memory_space<vmem>>
      %dma_start3A_17 = tpu.memref_squeeze %dma_start3A_16 : memref<1x80xi32, #tpu.memory_space<vmem>> -> memref<80xi32, #tpu.memory_space<vmem>>
      %dma_start3A_18 = arith.constant 0 : i32
      %dma_start3A_19 = arith.constant 0 : i32
      %dma_start3A_20 = tpu.memref_slice %arg2[%dma_start3A_18, %dma_start3A_19] : memref<10000x64xf32, #tpu.memory_space<hbm>> -> memref<10000x64xf32, #tpu.memory_space<hbm>>
      tpu.enqueue_indirect_dma source(%dma_start3A_20 : memref<10000x64xf32, #tpu.memory_space<hbm>>) target(%arg9 : memref<80x64xf32, #tpu.memory_space<vmem>>) offsets(%dma_start3A_17 : memref<80xi32, #tpu.memory_space<vmem>>) semaphore(%arg12 : memref<!tpu.dma_semaphore, #tpu.memory_space<semaphore_mem>>)
      %dma_wait3A = arith.constant 0 : i32
      %dma_wait3A_21 = tpu.memref_slice %arg7[%scan3A_14, %dma_wait3A] : memref<125x80xi32, #tpu.memory_space<vmem>> -> memref<1x80xi32, #tpu.memory_space<vmem>>
      %dma_wait3A_22 = tpu.memref_squeeze %dma_wait3A_21 : memref<1x80xi32, #tpu.memory_space<vmem>> -> memref<80xi32, #tpu.memory_space<vmem>>
      %dma_wait3A_23 = arith.constant 0 : i32
      %dma_wait3A_24 = arith.constant 0 : i32
      %dma_wait3A_25 = tpu.memref_slice %arg2[%dma_wait3A_23, %dma_wait3A_24] : memref<10000x64xf32, #tpu.memory_space<hbm>> -> memref<10000x64xf32, #tpu.memory_space<hbm>>
      tpu.wait_indirect_dma semaphore(%arg12 : memref<!tpu.dma_semaphore, #tpu.memory_space<semaphore_mem>>) src(%dma_wait3A_25 : memref<10000x64xf32, #tpu.memory_space<hbm>>) dst(%arg9 : memref<80x64xf32, #tpu.memory_space<vmem>>)
      "tpu.region"() ({
        %run_scoped3A = tpu.sem_alloc : memref<!tpu.dma_semaphore, #tpu.memory_space<semaphore_mem>>
        %dma_start3A_27 = arith.constant 0 : i32
        %dma_start3A_28 = tpu.memref_slice %arg8[%scan3A_14, %dma_start3A_27] : memref<125x80xi32, #tpu.memory_space<vmem>> -> memref<1x80xi32, #tpu.memory_space<vmem>>
        %dma_start3A_29 = tpu.memref_squeeze %dma_start3A_28 : memref<1x80xi32, #tpu.memory_space<vmem>> -> memref<80xi32, #tpu.memory_space<vmem>>
        %dma_start3A_30 = arith.constant 0 : i32
        %dma_start3A_31 = arith.constant 0 : i32
        %dma_start3A_32 = tpu.memref_slice %arg11[%dma_start3A_30, %dma_start3A_31] : memref<10240x64xf32, #tpu.memory_space<vmem_shared>> -> memref<10240x64xf32, #tpu.memory_space<vmem_shared>>
        tpu.enqueue_indirect_dma source(%arg9 : memref<80x64xf32, #tpu.memory_space<vmem>>) target(%dma_start3A_32 : memref<10240x64xf32, #tpu.memory_space<vmem_shared>>) offsets(%dma_start3A_29 : memref<80xi32, #tpu.memory_space<vmem>>) semaphore(%run_scoped3A : memref<!tpu.dma_semaphore, #tpu.memory_space<semaphore_mem>>) {add = true}
        %dma_wait3A_33 = arith.constant 0 : i32
        %dma_wait3A_34 = tpu.memref_slice %arg8[%scan3A_14, %dma_wait3A_33] : memref<125x80xi32, #tpu.memory_space<vmem>> -> memref<1x80xi32, #tpu.memory_space<vmem>>
        %dma_wait3A_35 = tpu.memref_squeeze %dma_wait3A_34 : memref<1x80xi32, #tpu.memory_space<vmem>> -> memref<80xi32, #tpu.memory_space<vmem>>
        %dma_wait3A_36 = arith.constant 0 : i32
        %dma_wait3A_37 = arith.constant 0 : i32
        %dma_wait3A_38 = tpu.memref_slice %arg11[%dma_wait3A_36, %dma_wait3A_37] : memref<10240x64xf32, #tpu.memory_space<vmem_shared>> -> memref<10240x64xf32, #tpu.memory_space<vmem_shared>>
        tpu.wait_indirect_dma semaphore(%run_scoped3A : memref<!tpu.dma_semaphore, #tpu.memory_space<semaphore_mem>>) src(%arg9 : memref<80x64xf32, #tpu.memory_space<vmem>>) dst(%dma_wait3A_38 : memref<10240x64xf32, #tpu.memory_space<vmem_shared>>)
        tpu.yield
      }) : () -> ()
      %scan3A_26 = arith.constant 0 : i32
      scf.yield %scan3A_26 : i32
    }
    %scan3A_8 = arith.constant 125 : i32
    %barrier3A_9 = arith.constant 0 : index
    tpu.barrier barrier_id(%barrier3A_9)
    %mul3A_10 = arith.constant 640 : i32
    %mul3A_11 = arith.muli %arg1, %mul3A_10 : i32
    "tpu.region"() ({
      %run_scoped3A = tpu.sem_alloc : memref<!tpu.dma_semaphore, #tpu.memory_space<semaphore_mem>>
      %dma_start3A = arith.constant 0 : i32
      %dma_start3A_14 = tpu.memref_slice %arg11[%mul3A_11, %dma_start3A] : memref<10240x64xf32, #tpu.memory_space<vmem_shared>> -> memref<640x64xf32, #tpu.memory_space<vmem_shared>>
      %dma_start3A_15 = arith.constant 0 : i32
      %dma_start3A_16 = tpu.memref_slice %arg11[%mul3A_11, %dma_start3A_15] : memref<10240x64xf32, #tpu.memory_space<vmem_shared>> -> memref<640x64xf32, #tpu.memory_space<vmem_shared>>
      tpu.enqueue_dma source(%dma_start3A_16 : memref<640x64xf32, #tpu.memory_space<vmem_shared>>) target(%arg10 : memref<640x64xf32, #tpu.memory_space<vmem>>) target_semaphore(%run_scoped3A : memref<!tpu.dma_semaphore, #tpu.memory_space<semaphore_mem>>)
      %dma_wait3A = arith.constant 0 : i32
      %dma_wait3A_17 = tpu.memref_slice %arg11[%mul3A_11, %dma_wait3A] : memref<10240x64xf32, #tpu.memory_space<vmem_shared>> -> memref<640x64xf32, #tpu.memory_space<vmem_shared>>
      %dma_wait3A_18 = arith.constant 0 : i32
      %dma_wait3A_19 = tpu.memref_slice %arg11[%mul3A_11, %dma_wait3A_18] : memref<10240x64xf32, #tpu.memory_space<vmem_shared>> -> memref<640x64xf32, #tpu.memory_space<vmem_shared>>
      tpu.wait_dma2 semaphore(%run_scoped3A : memref<!tpu.dma_semaphore, #tpu.memory_space<semaphore_mem>>) src(%dma_wait3A_19 : memref<640x64xf32, #tpu.memory_space<vmem_shared>>) dst(%arg10 : memref<640x64xf32, #tpu.memory_space<vmem>>)
      tpu.yield
    }) : () -> ()
    %mul3A_12 = arith.constant 640 : i32
    %mul3A_13 = arith.muli %arg1, %mul3A_12 : i32
    "tpu.region"() ({
      %run_scoped3A = tpu.sem_alloc : memref<!tpu.dma_semaphore, #tpu.memory_space<semaphore_mem>>
      %dma_start3A = arith.constant 0 : i32
      %dma_start3A_14 = tpu.memref_slice %arg6[%arg0, %mul3A_13, %dma_start3A] : memref<2x10240x64xf32, #tpu.memory_space<hbm>> -> memref<1x640x64xf32, #tpu.memory_space<hbm>>
      %dma_start3A_15 = tpu.memref_squeeze %dma_start3A_14 : memref<1x640x64xf32, #tpu.memory_space<hbm>> -> memref<640x64xf32, #tpu.memory_space<hbm>>
      %dma_start3A_16 = arith.constant 0 : i32
      %dma_start3A_17 = tpu.memref_slice %arg6[%arg0, %mul3A_13, %dma_start3A_16] : memref<2x10240x64xf32, #tpu.memory_space<hbm>> -> memref<1x640x64xf32, #tpu.memory_space<hbm>>
      %dma_start3A_18 = tpu.memref_squeeze %dma_start3A_17 : memref<1x640x64xf32, #tpu.memory_space<hbm>> -> memref<640x64xf32, #tpu.memory_space<hbm>>
      tpu.enqueue_dma source(%arg10 : memref<640x64xf32, #tpu.memory_space<vmem>>) target(%dma_start3A_18 : memref<640x64xf32, #tpu.memory_space<hbm>>) target_semaphore(%run_scoped3A : memref<!tpu.dma_semaphore, #tpu.memory_space<semaphore_mem>>)
      %dma_wait3A = arith.constant 0 : i32
      %dma_wait3A_19 = tpu.memref_slice %arg6[%arg0, %mul3A_13, %dma_wait3A] : memref<2x10240x64xf32, #tpu.memory_space<hbm>> -> memref<1x640x64xf32, #tpu.memory_space<hbm>>
      %dma_wait3A_20 = tpu.memref_squeeze %dma_wait3A_19 : memref<1x640x64xf32, #tpu.memory_space<hbm>> -> memref<640x64xf32, #tpu.memory_space<hbm>>
      %dma_wait3A_21 = arith.constant 0 : i32
      %dma_wait3A_22 = tpu.memref_slice %arg6[%arg0, %mul3A_13, %dma_wait3A_21] : memref<2x10240x64xf32, #tpu.memory_space<hbm>> -> memref<1x640x64xf32, #tpu.memory_space<hbm>>
      %dma_wait3A_23 = tpu.memref_squeeze %dma_wait3A_22 : memref<1x640x64xf32, #tpu.memory_space<hbm>> -> memref<640x64xf32, #tpu.memory_space<hbm>>
      tpu.wait_dma2 semaphore(%run_scoped3A : memref<!tpu.dma_semaphore, #tpu.memory_space<semaphore_mem>>) src(%arg10 : memref<640x64xf32, #tpu.memory_space<vmem>>) dst(%dma_wait3A_23 : memref<640x64xf32, #tpu.memory_space<hbm>>)
      tpu.yield
    }) : () -> ()
    return
  }
}

module attributes {stable_mosaic.version = 14 : i64} {
  func.func @_dense1_body(%arg0: memref<10000x128xf32, #tpu.memory_space<vmem>>, %arg1: memref<128x64xf32, #tpu.memory_space<vmem>>, %arg2: memref<32x10000xf32, #tpu.memory_space<vmem>>, %arg3: memref<10000x64xf32, #tpu.memory_space<vmem>>, %arg4: memref<10000x1xf32, #tpu.memory_space<vmem>>) attributes {dimension_semantics = [], scalar_prefetch = 0 : i64, scratch_operands = 0 : i64, tpu.core_type = #tpu.core_type<tc>} {
    %broadcast_in_dim3A = arith.constant 1.000000e+00 : f32
    %broadcast_in_dim3A_0 = vector.broadcast %broadcast_in_dim3A : f32 to vector<32x1xf32>
    %get3A = arith.constant 0 : index
    %get3A_1 = arith.constant 0 : index
    %get3A_2 = vector.load %arg2[%get3A, %get3A_1] : memref<32x10000xf32, #tpu.memory_space<vmem>>, vector<32x10000xf32>
    %dot_general3A = arith.constant dense<0.000000e+00> : vector<10000x1xf32>
    %dot_general3A_3 = tpu.matmul %get3A_2, %broadcast_in_dim3A_0, %dot_general3A {dimension_numbers = #tpu.dot_dimension_numbers<[0], [0], [1], [1], [0, 1, 1, 1], [], []>, transpose_lhs_hint = false} : vector<32x10000xf32>, vector<32x1xf32>, vector<10000x1xf32> -> vector<10000x1xf32>
    %add3A = arith.constant 1.000000e+00 : f32
    %add3A_4 = vector.broadcast %add3A : f32 to vector<10000x1xf32>
    %add3A_5 = arith.addf %dot_general3A_3, %add3A_4 : vector<10000x1xf32>
    %rsqrt3A = math.rsqrt %add3A_5 : vector<10000x1xf32>
    %get3A_6 = arith.constant 0 : index
    %get3A_7 = arith.constant 0 : index
    %get3A_8 = vector.load %arg0[%get3A_6, %get3A_7] : memref<10000x128xf32, #tpu.memory_space<vmem>>, vector<10000x128xf32>
    %get3A_9 = arith.constant 0 : index
    %get3A_10 = arith.constant 0 : index
    %get3A_11 = vector.load %arg1[%get3A_9, %get3A_10] : memref<128x64xf32, #tpu.memory_space<vmem>>, vector<128x64xf32>
    %dot_general3A_12 = arith.constant dense<0.000000e+00> : vector<10000x64xf32>
    %dot_general3A_13 = tpu.matmul %get3A_8, %get3A_11, %dot_general3A_12 {dimension_numbers = #tpu.dot_dimension_numbers<[1], [0], [0], [1], [0, 0, 1, 1], [], []>, transpose_lhs_hint = false} : vector<10000x128xf32>, vector<128x64xf32>, vector<10000x64xf32> -> vector<10000x64xf32>
    %mul3A = vector.broadcast %rsqrt3A : vector<10000x1xf32> to vector<10000x64xf32>
    %mul3A_14 = arith.mulf %dot_general3A_13, %mul3A : vector<10000x64xf32>
    %swap3A = arith.constant 0 : index
    %swap3A_15 = arith.constant 0 : index
    %swap3A_16 = vector.load %arg3[%swap3A, %swap3A_15] : memref<10000x64xf32, #tpu.memory_space<vmem>>, vector<10000x64xf32>
    tpu.vector_store %arg3[%swap3A, %swap3A_15], %mul3A_14 {strides = array<i32>} : memref<10000x64xf32, #tpu.memory_space<vmem>>, vector<10000x64xf32>,
    %swap3A_17 = arith.constant 0 : index
    %swap3A_18 = arith.constant 0 : index
    %swap3A_19 = vector.load %arg4[%swap3A_17, %swap3A_18] : memref<10000x1xf32, #tpu.memory_space<vmem>>, vector<10000x1xf32>
    tpu.vector_store %arg4[%swap3A_17, %swap3A_18], %rsqrt3A {strides = array<i32>} : memref<10000x1xf32, #tpu.memory_space<vmem>>, vector<10000x1xf32>,
    return
  }
}

module attributes {stable_mosaic.version = 14 : i64} {
  func.func @_dense2_body(%arg0: memref<2x10240x64xf32, #tpu.memory_space<vmem>>, %arg1: memref<10000x64xf32, #tpu.memory_space<vmem>>, %arg2: memref<10000x1xf32, #tpu.memory_space<vmem>>, %arg3: memref<64xf32, #tpu.memory_space<vmem>>, %arg4: memref<64x1xf32, #tpu.memory_space<vmem>>, %arg5: memref<10000x1xf32, #tpu.memory_space<vmem>>) attributes {dimension_semantics = [], scalar_prefetch = 0 : i64, scratch_operands = 0 : i64, tpu.core_type = #tpu.core_type<tc>} {
    %get3A = arith.constant 0 : index
    %get3A_0 = arith.constant 0 : index
    %get3A_1 = arith.constant 0 : index
    %get3A_2 = vector.load %arg0[%get3A, %get3A_0, %get3A_1] : memref<2x10240x64xf32, #tpu.memory_space<vmem>>, vector<1x10000x64xf32>
    %get3A_3 = vector.shape_cast %get3A_2 : vector<1x10000x64xf32> to vector<10000x64xf32>
    %get3A_4 = arith.constant 1 : index
    %get3A_5 = arith.constant 0 : index
    %get3A_6 = arith.constant 0 : index
    %get3A_7 = vector.load %arg0[%get3A_4, %get3A_5, %get3A_6] : memref<2x10240x64xf32, #tpu.memory_space<vmem>>, vector<1x10000x64xf32>
    %get3A_8 = vector.shape_cast %get3A_7 : vector<1x10000x64xf32> to vector<10000x64xf32>
    %add3A = arith.addf %get3A_3, %get3A_8 : vector<10000x64xf32>
    %get3A_9 = arith.constant 0 : index
    %get3A_10 = arith.constant 0 : index
    %get3A_11 = vector.load %arg1[%get3A_9, %get3A_10] : memref<10000x64xf32, #tpu.memory_space<vmem>>, vector<10000x64xf32>
    %add3A_12 = arith.addf %add3A, %get3A_11 : vector<10000x64xf32>
    %get3A_13 = arith.constant 0 : index
    %get3A_14 = arith.constant 0 : index
    %get3A_15 = vector.load %arg2[%get3A_13, %get3A_14] : memref<10000x1xf32, #tpu.memory_space<vmem>>, vector<10000x1xf32>
    %mul3A = vector.broadcast %get3A_15 : vector<10000x1xf32> to vector<10000x64xf32>
    %mul3A_16 = arith.mulf %add3A_12, %mul3A : vector<10000x64xf32>
    %get3A_17 = arith.constant 0 : index
    %get3A_18 = vector.load %arg3[%get3A_17] : memref<64xf32, #tpu.memory_space<vmem>>, vector<64xf32>
    %broadcast_in_dim3A = vector.shape_cast %get3A_18 : vector<64xf32> to vector<1x64xf32>
    %add3A_19 = vector.broadcast %broadcast_in_dim3A : vector<1x64xf32> to vector<10000x64xf32>
    %add3A_20 = arith.addf %mul3A_16, %add3A_19 : vector<10000x64xf32>
    %max3A = arith.constant 0.000000e+00 : f32
    %max3A_21 = vector.broadcast %max3A : f32 to vector<10000x64xf32>
    %max3A_22 = arith.maximumf %add3A_20, %max3A_21 : vector<10000x64xf32>
    %get3A_23 = arith.constant 0 : index
    %get3A_24 = arith.constant 0 : index
    %get3A_25 = vector.load %arg4[%get3A_23, %get3A_24] : memref<64x1xf32, #tpu.memory_space<vmem>>, vector<64x1xf32>
    %dot_general3A = arith.constant dense<0.000000e+00> : vector<10000x1xf32>
    %dot_general3A_26 = tpu.matmul %max3A_22, %get3A_25, %dot_general3A {dimension_numbers = #tpu.dot_dimension_numbers<[1], [0], [0], [1], [0, 0, 1, 1], [], []>, transpose_lhs_hint = false} : vector<10000x64xf32>, vector<64x1xf32>, vector<10000x1xf32> -> vector<10000x1xf32>
    %get3A_27 = arith.constant 0 : index
    %get3A_28 = arith.constant 0 : index
    %get3A_29 = vector.load %arg2[%get3A_27, %get3A_28] : memref<10000x1xf32, #tpu.memory_space<vmem>>, vector<10000x1xf32>
    %mul3A_30 = arith.mulf %dot_general3A_26, %get3A_29 : vector<10000x1xf32>
    %swap3A = arith.constant 0 : index
    %swap3A_31 = arith.constant 0 : index
    %swap3A_32 = vector.load %arg5[%swap3A, %swap3A_31] : memref<10000x1xf32, #tpu.memory_space<vmem>>, vector<10000x1xf32>
    tpu.vector_store %arg5[%swap3A, %swap3A_31], %mul3A_30 {strides = array<i32>} : memref<10000x1xf32, #tpu.memory_space<vmem>>, vector<10000x1xf32>,
    return
  }
}

module attributes {stable_mosaic.version = 14 : i64} {
  func.func @_dense3_body(%arg0: memref<32x10000xf32, #tpu.memory_space<vmem>>, %arg1: memref<10000x1xf32, #tpu.memory_space<vmem>>, %arg2: memref<10000x1xf32, #tpu.memory_space<vmem>>, %arg3: memref<1xf32, #tpu.memory_space<vmem>>, %arg4: memref<10000x1xf32, #tpu.memory_space<vmem>>) attributes {dimension_semantics = [], scalar_prefetch = 0 : i64, scratch_operands = 0 : i64, tpu.core_type = #tpu.core_type<tc>} {
    %broadcast_in_dim3A = arith.constant 1.000000e+00 : f32
    %broadcast_in_dim3A_0 = vector.broadcast %broadcast_in_dim3A : f32 to vector<32x1xf32>
    %get3A = arith.constant 0 : index
    %get3A_1 = arith.constant 0 : index
    %get3A_2 = vector.load %arg0[%get3A, %get3A_1] : memref<32x10000xf32, #tpu.memory_space<vmem>>, vector<32x10000xf32>
    %dot_general3A = arith.constant dense<0.000000e+00> : vector<10000x1xf32>
    %dot_general3A_3 = tpu.matmul %get3A_2, %broadcast_in_dim3A_0, %dot_general3A {dimension_numbers = #tpu.dot_dimension_numbers<[0], [0], [1], [1], [0, 1, 1, 1], [], []>, transpose_lhs_hint = false} : vector<32x10000xf32>, vector<32x1xf32>, vector<10000x1xf32> -> vector<10000x1xf32>
    %get3A_4 = arith.constant 0 : index
    %get3A_5 = arith.constant 0 : index
    %get3A_6 = vector.load %arg1[%get3A_4, %get3A_5] : memref<10000x1xf32, #tpu.memory_space<vmem>>, vector<10000x1xf32>
    %add3A = arith.addf %dot_general3A_3, %get3A_6 : vector<10000x1xf32>
    %get3A_7 = arith.constant 0 : index
    %get3A_8 = arith.constant 0 : index
    %get3A_9 = vector.load %arg2[%get3A_7, %get3A_8] : memref<10000x1xf32, #tpu.memory_space<vmem>>, vector<10000x1xf32>
    %mul3A = arith.mulf %add3A, %get3A_9 : vector<10000x1xf32>
    %get3A_10 = arith.constant 0 : index
    %get3A_11 = vector.load %arg3[%get3A_10] : memref<1xf32, #tpu.memory_space<vmem>>, vector<1xf32>
    %broadcast_in_dim3A_12 = vector.shape_cast %get3A_11 : vector<1xf32> to vector<1x1xf32>
    %add3A_13 = vector.broadcast %broadcast_in_dim3A_12 : vector<1x1xf32> to vector<10000x1xf32>
    %add3A_14 = arith.addf %mul3A, %add3A_13 : vector<10000x1xf32>
    %logistic3A = arith.negf %add3A_14 : vector<10000x1xf32>
    %logistic3A_15 = math.exp %logistic3A : vector<10000x1xf32>
    %logistic3A_16 = arith.constant 1.000000e+00 : f32
    %logistic3A_17 = vector.broadcast %logistic3A_16 : f32 to vector<10000x1xf32>
    %logistic3A_18 = arith.addf %logistic3A_17, %logistic3A_15 : vector<10000x1xf32>
    %logistic3A_19 = arith.divf %logistic3A_17, %logistic3A_18 : vector<10000x1xf32>
    %swap3A = arith.constant 0 : index
    %swap3A_20 = arith.constant 0 : index
    %swap3A_21 = vector.load %arg4[%swap3A, %swap3A_20] : memref<10000x1xf32, #tpu.memory_space<vmem>>, vector<10000x1xf32>
    tpu.vector_store %arg4[%swap3A, %swap3A_20], %logistic3A_19 {strides = array<i32>} : memref<10000x1xf32, #tpu.memory_space<vmem>>, vector<10000x1xf32>,
    return
  }
}

</mosaic_0001>

<sc_bundles>
// kernel: kernel.11.cloned.1.call-start
scs
__scs_entry_jumppad:
0x0: {  	(pc) =	sbr.rel $0x88, $3  }
0x1: {  	(tag) =	ssettag $0x0;
	lr =	simm.s32 $0x1  }
0x2: {  	[smem:$0x3F9B] =	sst lr;
	_ =	strace $0xD0000000  }
0x3: {  	_ = 	snop  }
0x4: {  	_ = 	snop  }
0x5: {  	_ = 	snop  }
0x6: {  	_ = 	snop  }
0x7: {  	_ = 	snop  }
__scs_overlays_trampoline_lowered:
0x8: {  	[smem:$0x3FAA] =	sst s0  }
0x9: {  	[smem:$0x3FAB] =	sst s1  }
0xa: {  	[smem:$0x3FAC] =	sst s2  }
0xb: {  	[smem:$0x3FAD] =	sst s3  }
0xc: {  	[smem:$0x3FAE] =	sst s4  }
0xd: {  	[smem:$0x3FAF] =	sst s5  }
0xe: {  	[smem:$0x3FB0] =	sst s6  }
0xf: {  	[smem:$0x3FB1] =	sst s7  }
0x10: {  	[smem:$0x3FB2] =	sst s8  }
0x11: {  	[smem:$0x3FB3] =	sst s9;
	s0 =	simm.s32 @!p0 $0x0  }
0x12: {  	s1 =	sld [smem:$0x3F99];
	s0 =	simm.s32 @p0 $0x1  }
0x13: {  	[smem:$0x3FB4] =	sst s0;
	s0 =	simm.s32 @!p1 $0x0  }
0x14: {  	s2 =	sld [smem:$0x3F98];
	s0 =	simm.s32 @p1 $0x1  }
0x15: {  	[smem:$0x3FB5] =	sst s0;
	s0 =	simm.s32 @!p2 $0x0  }
0x16: {  	s3 =	sld [smem:$0x3FDB];
	s0 =	simm.s32 @p2 $0x1  }
0x17: {  	s4 =	simm.s32 $0x1BF5;
	[smem:$0x3FB7] =	sst s0  }
0x18: {  	s0 =	sld [smem:$0x3F9A];
	_ =	swait.ge [sflag:s4], $0x0  }
0x19: {  	s7 =	sld [smem:$0x3F9B]  }
0x1a: {  	s8 =	sadd.s32 $0xFFFFE003, lr  }
0x1b: {  	s9 =	sadd.s32 $0xFFFFFEF7, lr;
	s5 =	simm.s32 $0xFFFFFFFF;
	p2 =	slt.u32 s8, $0xFFFFF086  }
0x1c: {  	p1 =	slt.u32 s9, $0xF7A;
	s5 =	simm.s32 @!p2 $0x0  }
0x1d: {  	s5 =	simm.s32 @p1 $0x1;
	p0 =	seq.s32 s7, s2  }
0x1e: {  	s7 =	smul.u32 @!p0 $0xF7A, s2;
	p2 =	seq.s32 @!p0 s5, $0x0  }
0x1f: {  	s9 =	smul.u32 $0xF7A, s1;
	s8 =	simm.s32 @!p0 $0x1BF5;
	p2 =	por !p2, p0  }
0x20: {  	[sflag:s8] =	ssyncset.s32 @!p0 $0xFFFFF086;
	s6 =	sadd.s32 @!p0 s3, s7;
	s7 =	simm.s32 @!p0 $0x108  }
0x21: {  	s3 =	sadd.s32 s3, s9;
	s6 =	sadd.s32 @!p0 $0x88, s6;
	s7 =	simm.s32 @p2 $0x1082  }
0x22: {  	[simem:s7], [sflag:s8] =	dma.local @!p0 [hbm:s6], $0xF7A  }
0x23: {  	s9 =	sor.u32 $0xD0000000, s2;
	s6 =	simm.s32 $0x108;
	_ =	swait.ge @!p0 [sflag:s8], $0x0  }
0x24: {  	s3 =	sadd.s32 $0x88, s3;
	s6 =	simm.s32 @!p1 $0x1082;
	[sflag:s4] =	ssyncset.s32 $0xFFFFF086  }
0x25: {  	[simem:s6], [sflag:s4] =	dma.local [hbm:s3], $0xF7A  }
0x26: {  	[smem:$0x3F9B] =	sst s1;
	(tag) =	ssettag s2;
	_ =	strace s9  }
0x27: {  	s1 =	sld [smem:$0x3FAB]  }
0x28: {  	s2 =	sld [smem:$0x3FAC]  }
0x29: {  	s4 =	sld [smem:$0x3FAE]  }
0x2a: {  	p0 =	seq.s32 s5, $0x0;
	s5 =	sld [smem:$0x3FAF]  }
0x2b: {  	s6 =	sld [smem:$0x3FB0]  }
0x2c: {  	s7 =	sld [smem:$0x3FB1]  }
0x2d: {  	s3 =	simm.s32 $0x108;
	s8 =	sld [smem:$0x3FB2]  }
0x2e: {  	s3 =	simm.s32 @!p0 $0x1082;
	s9 =	sld [smem:$0x3FB3]  }
0x2f: {  	lr =	sadd.s32 s0, s3;
	s0 =	sld [smem:$0x3FAA]  }
0x30: {  	s3 =	sld [smem:$0x3FAD]  }
0x31: {  	[smem:$0x3FB6] =	sst s10  }
0x32: {  	s10 =	sld [smem:$0x3FB4];
	_ =	sdelay $0x3  }
0x33: {  	p0 =	seq.s32 s10, $0x1;
	s10 =	sld [smem:$0x3FB6];
	_ =	sdelay $0x3  }
0x34: {  	[smem:$0x3FB6] =	sst s10  }
0x35: {  	s10 =	sld [smem:$0x3FB5];
	_ =	sdelay $0x3  }
0x36: {  	p1 =	seq.s32 s10, $0x1;
	s10 =	sld [smem:$0x3FB6];
	_ =	sdelay $0x3  }
0x37: {  	[smem:$0x3FB6] =	sst s10  }
0x38: {  	s10 =	sld [smem:$0x3FB7]  }
0x39: {  	_ = 	snop;
	(pc) =	sbr.ind lr, $3  }
0x3a: {  	_ = 	snop  }
0x3b: {  	_ = 	snop  }
0x3c: {  	p2 =	seq.s32 s10, $0x1;
	s10 =	sld [smem:$0x3FB6]  }
0x3d: {  	_ =	shalt  }
0x3e: {  	_ =	shalt  }
0x3f: {  	_ =	shalt  }
0x40: {  	_ =	shalt  }
0x41: {  	_ =	shalt  }
0x42: {  	_ =	shalt  }
0x43: {  	_ =	shalt  }
0x44: {  	_ =	shalt  }
0x45: {  	_ =	shalt  }
0x46: {  	_ =	shalt  }
0x47: {  	_ =	shalt  }
0x48: {  	_ =	shalt  }
0x49: {  	_ =	shalt  }
0x4a: {  	_ =	shalt  }
0x4b: {  	_ =	shalt  }
0x4c: {  	_ =	shalt  }
0x4d: {  	_ =	shalt  }
0x4e: {  	_ =	shalt  }
0x4f: {  	_ =	shalt  }
0x50: {  	_ =	shalt  }
0x51: {  	_ =	shalt  }
0x52: {  	_ =	shalt  }
0x53: {  	_ =	shalt  }
0x54: {  	_ =	shalt  }
0x55: {  	_ =	shalt  }
0x56: {  	_ =	shalt  }
0x57: {  	_ =	shalt  }
0x58: {  	_ =	shalt  }
0x59: {  	_ =	shalt  }
0x5a: {  	_ =	shalt  }
0x5b: {  	_ =	shalt  }
0x5c: {  	_ =	shalt  }
0x5d: {  	_ =	shalt  }
0x5e: {  	_ =	shalt  }
0x5f: {  	_ =	shalt  }
0x60: {  	_ =	shalt  }
0x61: {  	_ =	shalt  }
0x62: {  	_ =	shalt  }
0x63: {  	_ =	shalt  }
0x64: {  	_ =	shalt  }
0x65: {  	_ =	shalt  }
0x66: {  	_ =	shalt  }
0x67: {  	_ =	shalt  }
0x68: {  	_ =	shalt  }
0x69: {  	_ =	shalt  }
0x6a: {  	_ =	shalt  }
0x6b: {  	_ =	shalt  }
0x6c: {  	_ =	shalt  }
0x6d: {  	_ =	shalt  }
0x6e: {  	_ =	shalt  }
0x6f: {  	_ =	shalt  }
0x70: {  	_ =	shalt  }
0x71: {  	_ =	shalt  }
0x72: {  	_ =	shalt  }
0x73: {  	_ =	shalt  }
0x74: {  	_ =	shalt  }
0x75: {  	_ =	shalt  }
0x76: {  	_ =	shalt  }
0x77: {  	_ =	shalt  }
0x78: {  	_ =	shalt  }
0x79: {  	_ =	shalt  }
0x7a: {  	_ =	shalt  }
0x7b: {  	_ =	shalt  }
0x7c: {  	_ =	shalt  }
0x7d: {  	_ =	shalt  }
0x7e: {  	_ =	shalt  }
0x7f: {  	_ =	shalt  }
0x80: {  	_ =	shalt  }
0x81: {  	_ =	shalt  }
0x82: {  	_ =	shalt  }
0x83: {  	_ =	shalt  }
0x84: {  	_ =	shalt  }
0x85: {  	_ =	shalt  }
0x86: {  	_ =	shalt  }
0x87: {  	_ =	shalt  }
.Lfunc_end0:
.L_simem_size_0:
called_computation.1_lowered:
.L_overlay_start_0:
0x88: {  	s2 =	sld [smem:$0x3FD9]  }
0x89: {  	s3 =	sld [smem:$0x3FFE];
	_ =	sdelay $0x1  }
0x8a: {  	s1 =	srdreg.scid  }
0x8b: {  	s0 =	sand.u32 $0x1, s1  }
0x8c: {  	s16 =	sshll.u32 s0, $0xA;
	s2 =	sadd.s32 s3, s2  }
0x8d: {  	s2 =	sadd.s32 s2, s16  }
0x8e: {  	[smem:$0x3FC2] =	sst s2  }
0x8f: {  	_ = 	snop  }
0x90: {  	(tm) =	ssettm $0x1  }
0x91: {  	s17 =	sld [smem:$0x3FFB];
	_ =	sdelay $0x3  }
0x92: {  	_ =	strace s17  }
0x93: {  	s2 =	sld [smem:$0x3FFC];
	_ =	sdelay $0x3  }
0x94: {  	_ =	strace s2  }
0x95: {  	s2 =	sld [smem:$0x3FFD];
	_ =	sdelay $0x3  }
0x96: {  	_ =	strace s2  }
0x97: {  	_ =	strace $0x8FFFFFFF  }
0x98: {  	s18 =	sld [smem:$0x3FDB];
	_ =	sdelay $0x1  }
0x99: {  	s19 =	simm.s32 $_scs_section_size  }
0x9a: {  	s4 =	simm.s32 $_size__tile_overlayer_lowered;
	s5 =	simm.s32 $_tile_overlayer_lowered  }
0x9b: {  	s22 =	simm.s32 $0x1BFF;
	s21 =	sshll.u32 s5, $0x1;
	s2 =	sadd.s32 s19, s18  }
0x9c: {  	s6 =	simm.s32 $0x0;
	s20 =	sshll.u32 s4, $0x1;
	s4 =	sadd.s32 s21, s2  }
0x9d: {  	[timem:s6], [sflag:s22] =	dma.local [hbm:s4], s20  }
0x9e: {  	_ =	swait.ge [sflag:s22], s20  }
0x9f: {  	s3 =	ssub.s32 $0x0, s20;
	[sflag:s22] =	ssyncset.done $0x0  }
0xa0: {  	[sflag:s22] =	ssyncadd.s32 s3;
	_ =	sdelay $0x1  }
0xa1: {  	s23 =	simm.s32 $0x1B8B  }
0xa2: {  	_ =	swait.ge [sflag:s23], $0x1  }
0xa3: {  	[sflag:s23] =	ssyncset.done $0x0  }
0xa4: {  	s25 =	simm.s32 $0x1B8E;
	s24 =	sld [smem:$0x3FFE];
	[sflag:s23] =	ssyncadd.s32 $0xFFFFFFFF  }
0xa5: {  	s26 =	simm.s32 $execute0_lowered;
	[smem:$0x3FD2] =	sst s25  }
0xa6: {  	s4 =	sshll.u32 s26, $0x1;
	_ =	strace $0x80000049;
	[dreg:$0x1] =	wrdreg $0xFFFFFFFF  }
0xa7: {  	s28 =	simm.s32 $_size_execute0_lowered;
	s2 =	sadd.s32 s2, s4;
	[dreg:$0x0] =	wrdreg $0x0  }
0xa8: {  	s4 =	sshll.u32 s28, $0x1;
	[dreg:$0x2] =	wrdreg s2  }
0xa9: {  	[dreg:$0x3] =	wrdreg s4  }
0xaa: {  	[dreg:$0x4] =	wrdreg $0xC0  }
0xab: {  	_ =	task [dreg:s6], $0x5FFFF  }
0xac: {  	[dreg:$0x1] =	wrdreg $0xFFFFFFFF  }
0xad: {  	[dreg:$0x0] =	wrdreg $0x60  }
0xae: {  	[dreg:$0x2] =	wrdreg s24  }
0xaf: {  	[dreg:$0x3] =	wrdreg $0x102200  }
0xb0: {  	[dreg:$0x4] =	wrdreg $0x9  }
0xb1: {  	_ =	task.clear_ibuf [dreg:s6], $0x5FFFF;
	_ =	strace $0x90000049  }
0xb2: {  	s29 =	simm.s32 $0x9;
	_ =	strace $0x8000004B  }
0xb3: {  	_ =	swait.ge [sflag:s29], $0x1  }
0xb4: {  	[sflag:s29] =	ssyncadd.s32 $0xFFFFFFFF  }
0xb5: {  	_ =	strace $0x9000004B  }
0xb6: {  	_ =	sfence  }
0xb7: {  	s30 =	sld [smem:$0x0];
	_ =	sdelay $0x2  }
0xb8: {  	s31 =	sshll.u32 s1, $0xD;
	s1 =	sshrl.u32 s1, $0x2  }
0xb9: {  	s3 =	sand.u32 $0x4000, s31;
	s1 =	sadd.s32 s1, s30  }
0xba: {  	s0 =	sor.u32 s3, s0;
	s1 =	sshll.u32 s1, $0x11  }
0xbb: {  	s0 =	sor.u32 s1, s0  }
0xbc: {  	s0 =	sadd.s32 $0x8F2B, s0  }
0xbd: {  	[sflag:s0] =	ssyncadd.remote.s32 $0x1  }
0xbe: {  	_ =	sfence.sel $0xFFFF  }
0xbf: {  	[dreg:$0x0] =	wrdreg $0xFFFFFFFF;
	(pc) =	sbr.abs _section_cstart, $3  }
0xc0: {  	[dreg:$0x1] =	wrdreg $0xFFFFFFFF  }
0xc1: {  	_ =	task.clear_ibuf [dreg:s6], $0x2FFFF;
	_ =	strace $0x9FFFFFFF  }
0xc2: {  	(tm) =	ssettm $0x7FFFFFFF  }
0xc3: {  	_ =	shalt  }
tec
execute0_lowered:
.L_overlay_start_1:
0x0: {  	(tag) =	ssettag $0x1  }
0x1: {  	s6 =	rddreg [dreg:$0x0]  }
0x2: {  	s2 =	rddreg [dreg:$0x1];
	s3 =	srdreg.scid  }
0x3: {  	s0 =	rddreg [dreg:$0x2];
	s1 =	stileid.u32  }
0x4: {  	s13 =	simm.s32 $0x6220;
	s14 =	simm.s32 $0x50;
	s15 =	simm.s32 $0x4E20  }
0x5: {  	s16 =	simm.s32 $0x1;
	s17 =	simm.s32 $0x0;
	s5 =	sand.u32 $0x1, s3  }
0x6: {  	s3 =	simm.s32 $0x0;
	s8 =	smul.u32 $0xA000, s1;
	s4 =	sshll.u32 s5, $0x4  }
0x7: {  	[smem:$0x7FF] =	sst s3;
	s7 =	smul.u32 $0xA0000, s5;
	s10 =	ssub.s32 $0x2, s5  }
0x8: {  	s5 =	sadd.s32 $0x38800, s6;
	s4 =	sor.u32 s1, s4;
	_ =	strace $0x8000004A  }
0x9: {  	s11 =	sshrl.u32 s10, $0x1;
	s9 =	smul.u32 $0x4E2, s4;
	s4 =	sadd.s32 $0x24E00, s6  }
0xa: {  	s7 =	sadd.s32 s8, s7;
	s10 =	ssub.s32 s10, s11;
	s8 =	sadd.s32 s8, s2  }
0xb: {  	s11 =	simm.s32 $0x2;
	s7 =	sshrl.u32 s7, $0x3;
	s9 =	sadd.s32 s9, s6  }
0xc: {  	s10 =	smax.u32 s10, $0x1;
	s12 =	sadd.s32 s7, s6;
	s6 =	sadd.s32 $0x1200, s9  }
0xd: {  	s7 =	sadd.s32 $0xB000, s9;
	s9 =	sadd.s32 $0x39C00, s12;
	s12 =	simm.s32 $0x2710  }
.LBB2_1:
0xe: {  	[tilespmem:s3], [sflag:$0x2] =	stream.linear.gather [hbm4b:s6+s3], $0x2710, $0x38;
	[tilespmem:$0x1A220] =	vst v63  }
0xf: {  	_ =	swait.ge [sflag:s11], $0x2710  }
0x10: {  	[sflag:s11] =	ssyncset.done $0x0  }
0x11: {  	[sflag:s11] =	ssyncadd.s32 $0xFFFFD8F0  }
0x12: {  	[tilespmem:s12], [sflag:$0x2] =	stream.linear.gather [hbm4b:s7+s3], $0x2710, $0x38;
	[tilespmem:$0x1A220] =	vst v63  }
0x13: {  	_ =	swait.ge [sflag:s11], $0x2710  }
0x14: {  	[sflag:s11] =	ssyncset.done $0x0  }
0x15: {  	[sflag:s11] =	ssyncadd.s32 $0xFFFFD8F0  }
0x16: {  	[tilespmem:s13], [sflag:$0x2] =	stream.linear.gather [hbm4b:s5+s3], $0xA000, $0x38;
	[tilespmem:$0x1A220] =	vst v63  }
0x17: {  	_ =	swait.ge [sflag:s11], $0xA000  }
0x18: {  	[sflag:s11] =	ssyncset.done $0x0  }
0x19: {  	[sflag:s11] =	ssyncadd.s32 $0xFFFF6000  }
0x1a: {  	[spmem:s8] =	stream.linear.scatter [tilespmem:s13], [sflag:$0x2], $0xA000, $0x38;
	[tilespmem:$0x1A220] =	vst v63  }
0x1b: {  	_ =	swait.ge [sflag:s11], $0xA000  }
0x1c: {  	[sflag:s11] =	ssyncset.done $0x0  }
0x1d: {  	[sflag:s11] =	ssyncadd.s32 $0xFFFF6000  }
0x1e: {  	s18 =	simm.s32 $0x0;
	[bflag:$0x0] =	sbarrier.arrive $0xFFFF  }
0x1f: {  	[tilespmem:s15], [sflag:$0x1] =	stream.indirect.gather [hbm4b:s4+s14], $0x40, s18, s14, $0xb8;
	[tilespmem:$0x1A220] =	vst v63  }
0x20: {  	_ =	swait.ge [sflag:s16], $0x1400  }
0x21: {  	[sflag:s16] =	ssyncset.done $0x0  }
0x22: {  	s31 =	simm.s32 $0x2710;
	[sflag:s16] =	ssyncadd.s32 $0xFFFFEC00  }
0x23: {  	[spmem:s2] =	stream.indirect.scatter.add.f32 [tilespmem:s15], [sflag:$0x2], $0x40, s31, s14, $0xb8;
	[tilespmem:$0x1A220] =	vst v63  }
0x24: {  	_ =	swait.ge [sflag:s11], $0x1400  }
0x25: {  	s19 =	simm.s32 $0x280;
	s18 =	simm.s32 $0x140;
	[sflag:s11] =	ssyncset.done $0x0  }
.LBB2_2:
0x26: {  	s20 =	sshra.s32 s18, $0x2  }
0x27: {  	[sflag:s11] =	ssyncadd.s32 $0xFFFFEC00;
	s18 =	smov.u32 s19;
	s21 =	sadd.s32 $0x140, s19  }
0x28: {  	[tilespmem:s15], [sflag:$0x1] =	stream.indirect.gather [hbm4b:s4+s14], $0x40, s20, s14, $0xb8;
	[tilespmem:$0x1A220] =	vst v63  }
0x29: {  	p0 =	sne.s32 s19, $0x9B00;
	_ =	swait.ge [sflag:s16], $0x1400  }
.Ltmp0:
0x2a: {  	[sflag:s16] =	ssyncset.done $0x0;
	(pc) =	sbr.rel @p0 .LBB2_2-.Ltmp0, $4  }
0x2b: {  	s19 =	sadd.s32 $0x2710, s20;
	[sflag:s16] =	ssyncadd.s32 $0xFFFFEC00  }
0x2c: {  	[spmem:s2] =	stream.indirect.scatter.add.f32 [tilespmem:s15], [sflag:$0x2], $0x40, s19, s14, $0xb8;
	[tilespmem:$0x1A220] =	vst v63  }
0x2d: {  	_ =	swait.ge [sflag:s11], $0x1400  }
0x2e: {  	s19 =	smov.u32 s21;
	[sflag:s11] =	ssyncset.done $0x0  }
0x2f: {  	s18 =	sshra.s32 s18, $0x2;
	[sflag:s11] =	ssyncadd.s32 $0xFFFFEC00  }
0x30: {  	[tilespmem:s15], [sflag:$0x1] =	stream.indirect.gather [hbm4b:s4+s14], $0x40, s18, s14, $0xb8;
	[tilespmem:$0x1A220] =	vst v63  }
0x31: {  	_ =	swait.ge [sflag:s16], $0x1400  }
0x32: {  	[sflag:s16] =	ssyncset.done $0x0  }
0x33: {  	s18 =	sadd.s32 $0x2710, s18;
	[sflag:s16] =	ssyncadd.s32 $0xFFFFEC00  }
0x34: {  	[spmem:s2] =	stream.indirect.scatter.add.f32 [tilespmem:s15], [sflag:$0x2], $0x40, s18, s14, $0xb8;
	[tilespmem:$0x1A220] =	vst v63  }
0x35: {  	_ =	swait.ge [sflag:s11], $0x1400  }
0x36: {  	[sflag:s11] =	ssyncset.done $0x0  }
0x37: {  	[sflag:s11] =	ssyncadd.s32 $0xFFFFEC00  }
0x38: {  	[bflag:$0x0] =	sbarrier.arrive $0xFFFF  }
0x39: {  	[tilespmem:s13], [sflag:$0x2] =	stream.linear.gather [spmem:s8], $0xA000, $0x38;
	[tilespmem:$0x1A220] =	vst v63  }
0x3a: {  	s17 =	sadd.s32 $0x1, s17;
	_ =	swait.ge [sflag:s11], $0xA000  }
0x3b: {  	p0 =	sne.s32 s17, s10;
	[sflag:s11] =	ssyncset.done $0x0  }
.Ltmp1:
0x3c: {  	[sflag:s11] =	ssyncadd.s32 $0xFFFF6000;
	(pc) =	sbr.rel @p0 .LBB2_1-.Ltmp1, $4  }
0x3d: {  	[hbm4b:s9+s3] =	stream.linear.scatter [tilespmem:s13], [sflag:$0x2], $0xA000, $0x38;
	[tilespmem:$0x1A220] =	vst v63  }
0x3e: {  	_ =	swait.ge [sflag:s11], $0xA000  }
0x3f: {  	[sflag:s11] =	ssyncset.done $0x0  }
0x40: {  	[sflag:s11] =	ssyncadd.s32 $0xFFFF6000  }
0x41: {  	_ =	sfence.sel $0x180000  }
0x42: {  	[bflag:$0x0] =	sbarrier.arrive $0xFFFF  }
0x43: {  	p0 =	sne.s32 s1, $0x0;
	_ =	strace $0x9000004A  }
0x44: {  	s0 =	sadd.s32 @!p0 $0x100000, s0;
	[bflag:$0x2] =	sbarrier.arrive $0xFFFF  }
0x45: {  	[sflag:s0] =	ssyncadd.tile.s32 @!p0 $0x1;
	_ =	shalt  }
.Lfunc_end2:
_tile_overlayer_lowered:
.L_overlay_start_2:
0x46: {  	(tag) =	ssettag $0x2  }
0x47: {  	s0 =	rddreg [dreg:$0x0];
	s2 =	stileid.u32  }
0x48: {  	s1 =	rddreg [dreg:$0x1];
	p0 =	sne.s32 s2, $0x0  }
0x49: {  	s3 =	rddreg [dreg:$0x2];
	[bflag:$0x3] =	sbarrier.arrive $0xFFFF;
	s2 =	simm.s32 @!p0 $0x1C02  }
0x4a: {  	[timem:s3], [sflag:s2] =	dma.local @!p0 [hbm:s0], s1  }
0x4b: {  	s0 =	simm.s32 @!p0 $0x2  }
0x4c: {  	_ =	swait.ge @!p0 [sflag:s0], s1  }
0x4d: {  	s1 =	ssub.s32 @!p0 $0x0, s1;
	[sflag:s0] =	ssyncset.done @!p0 $0x0  }
0x4e: {  	[sflag:s0] =	ssyncadd.s32 @!p0 s1  }
0x4f: {  	[bflag:$0x3] =	sbarrier.arrive $0xFFFF  }
0x50: {  	_ =	shalt  }

// kernel: kernel.14.cloned.1.call-start
scs
__scs_entry_jumppad:
0x0: {  	(pc) =	sbr.rel $0x88, $3  }
0x1: {  	(tag) =	ssettag $0x0;
	lr =	simm.s32 $0x1  }
0x2: {  	[smem:$0x3F9B] =	sst lr;
	_ =	strace $0xD0000000  }
0x3: {  	_ = 	snop  }
0x4: {  	_ = 	snop  }
0x5: {  	_ = 	snop  }
0x6: {  	_ = 	snop  }
0x7: {  	_ = 	snop  }
__scs_overlays_trampoline_lowered:
0x8: {  	[smem:$0x3FAA] =	sst s0  }
0x9: {  	[smem:$0x3FAB] =	sst s1  }
0xa: {  	[smem:$0x3FAC] =	sst s2  }
0xb: {  	[smem:$0x3FAD] =	sst s3  }
0xc: {  	[smem:$0x3FAE] =	sst s4  }
0xd: {  	[smem:$0x3FAF] =	sst s5  }
0xe: {  	[smem:$0x3FB0] =	sst s6  }
0xf: {  	[smem:$0x3FB1] =	sst s7  }
0x10: {  	[smem:$0x3FB2] =	sst s8  }
0x11: {  	[smem:$0x3FB3] =	sst s9;
	s0 =	simm.s32 @!p0 $0x0  }
0x12: {  	s1 =	sld [smem:$0x3F99];
	s0 =	simm.s32 @p0 $0x1  }
0x13: {  	[smem:$0x3FB4] =	sst s0;
	s0 =	simm.s32 @!p1 $0x0  }
0x14: {  	s2 =	sld [smem:$0x3F98];
	s0 =	simm.s32 @p1 $0x1  }
0x15: {  	[smem:$0x3FB5] =	sst s0;
	s0 =	simm.s32 @!p2 $0x0  }
0x16: {  	s3 =	sld [smem:$0x3FDB];
	s0 =	simm.s32 @p2 $0x1  }
0x17: {  	s4 =	simm.s32 $0x1BF5;
	[smem:$0x3FB7] =	sst s0  }
0x18: {  	s0 =	sld [smem:$0x3F9A];
	_ =	swait.ge [sflag:s4], $0x0  }
0x19: {  	s7 =	sld [smem:$0x3F9B]  }
0x1a: {  	s8 =	sadd.s32 $0xFFFFE003, lr  }
0x1b: {  	s9 =	sadd.s32 $0xFFFFFEF7, lr;
	s5 =	simm.s32 $0xFFFFFFFF;
	p2 =	slt.u32 s8, $0xFFFFF086  }
0x1c: {  	p1 =	slt.u32 s9, $0xF7A;
	s5 =	simm.s32 @!p2 $0x0  }
0x1d: {  	s5 =	simm.s32 @p1 $0x1;
	p0 =	seq.s32 s7, s2  }
0x1e: {  	s7 =	smul.u32 @!p0 $0xF7A, s2;
	p2 =	seq.s32 @!p0 s5, $0x0  }
0x1f: {  	s9 =	smul.u32 $0xF7A, s1;
	s8 =	simm.s32 @!p0 $0x1BF5;
	p2 =	por !p2, p0  }
0x20: {  	[sflag:s8] =	ssyncset.s32 @!p0 $0xFFFFF086;
	s6 =	sadd.s32 @!p0 s3, s7;
	s7 =	simm.s32 @!p0 $0x108  }
0x21: {  	s3 =	sadd.s32 s3, s9;
	s6 =	sadd.s32 @!p0 $0x88, s6;
	s7 =	simm.s32 @p2 $0x1082  }
0x22: {  	[simem:s7], [sflag:s8] =	dma.local @!p0 [hbm:s6], $0xF7A  }
0x23: {  	s9 =	sor.u32 $0xD0000000, s2;
	s6 =	simm.s32 $0x108;
	_ =	swait.ge @!p0 [sflag:s8], $0x0  }
0x24: {  	s3 =	sadd.s32 $0x88, s3;
	s6 =	simm.s32 @!p1 $0x1082;
	[sflag:s4] =	ssyncset.s32 $0xFFFFF086  }
0x25: {  	[simem:s6], [sflag:s4] =	dma.local [hbm:s3], $0xF7A  }
0x26: {  	[smem:$0x3F9B] =	sst s1;
	(tag) =	ssettag s2;
	_ =	strace s9  }
0x27: {  	s1 =	sld [smem:$0x3FAB]  }
0x28: {  	s2 =	sld [smem:$0x3FAC]  }
0x29: {  	s4 =	sld [smem:$0x3FAE]  }
0x2a: {  	p0 =	seq.s32 s5, $0x0;
	s5 =	sld [smem:$0x3FAF]  }
0x2b: {  	s6 =	sld [smem:$0x3FB0]  }
0x2c: {  	s7 =	sld [smem:$0x3FB1]  }
0x2d: {  	s3 =	simm.s32 $0x108;
	s8 =	sld [smem:$0x3FB2]  }
0x2e: {  	s3 =	simm.s32 @!p0 $0x1082;
	s9 =	sld [smem:$0x3FB3]  }
0x2f: {  	lr =	sadd.s32 s0, s3;
	s0 =	sld [smem:$0x3FAA]  }
0x30: {  	s3 =	sld [smem:$0x3FAD]  }
0x31: {  	[smem:$0x3FB6] =	sst s10  }
0x32: {  	s10 =	sld [smem:$0x3FB4];
	_ =	sdelay $0x3  }
0x33: {  	p0 =	seq.s32 s10, $0x1;
	s10 =	sld [smem:$0x3FB6];
	_ =	sdelay $0x3  }
0x34: {  	[smem:$0x3FB6] =	sst s10  }
0x35: {  	s10 =	sld [smem:$0x3FB5];
	_ =	sdelay $0x3  }
0x36: {  	p1 =	seq.s32 s10, $0x1;
	s10 =	sld [smem:$0x3FB6];
	_ =	sdelay $0x3  }
0x37: {  	[smem:$0x3FB6] =	sst s10  }
0x38: {  	s10 =	sld [smem:$0x3FB7]  }
0x39: {  	_ = 	snop;
	(pc) =	sbr.ind lr, $3  }
0x3a: {  	_ = 	snop  }
0x3b: {  	_ = 	snop  }
0x3c: {  	p2 =	seq.s32 s10, $0x1;
	s10 =	sld [smem:$0x3FB6]  }
0x3d: {  	_ =	shalt  }
0x3e: {  	_ =	shalt  }
0x3f: {  	_ =	shalt  }
0x40: {  	_ =	shalt  }
0x41: {  	_ =	shalt  }
0x42: {  	_ =	shalt  }
0x43: {  	_ =	shalt  }
0x44: {  	_ =	shalt  }
0x45: {  	_ =	shalt  }
0x46: {  	_ =	shalt  }
0x47: {  	_ =	shalt  }
0x48: {  	_ =	shalt  }
0x49: {  	_ =	shalt  }
0x4a: {  	_ =	shalt  }
0x4b: {  	_ =	shalt  }
0x4c: {  	_ =	shalt  }
0x4d: {  	_ =	shalt  }
0x4e: {  	_ =	shalt  }
0x4f: {  	_ =	shalt  }
0x50: {  	_ =	shalt  }
0x51: {  	_ =	shalt  }
0x52: {  	_ =	shalt  }
0x53: {  	_ =	shalt  }
0x54: {  	_ =	shalt  }
0x55: {  	_ =	shalt  }
0x56: {  	_ =	shalt  }
0x57: {  	_ =	shalt  }
0x58: {  	_ =	shalt  }
0x59: {  	_ =	shalt  }
0x5a: {  	_ =	shalt  }
0x5b: {  	_ =	shalt  }
0x5c: {  	_ =	shalt  }
0x5d: {  	_ =	shalt  }
0x5e: {  	_ =	shalt  }
0x5f: {  	_ =	shalt  }
0x60: {  	_ =	shalt  }
0x61: {  	_ =	shalt  }
0x62: {  	_ =	shalt  }
0x63: {  	_ =	shalt  }
0x64: {  	_ =	shalt  }
0x65: {  	_ =	shalt  }
0x66: {  	_ =	shalt  }
0x67: {  	_ =	shalt  }
0x68: {  	_ =	shalt  }
0x69: {  	_ =	shalt  }
0x6a: {  	_ =	shalt  }
0x6b: {  	_ =	shalt  }
0x6c: {  	_ =	shalt  }
0x6d: {  	_ =	shalt  }
0x6e: {  	_ =	shalt  }
0x6f: {  	_ =	shalt  }
0x70: {  	_ =	shalt  }
0x71: {  	_ =	shalt  }
0x72: {  	_ =	shalt  }
0x73: {  	_ =	shalt  }
0x74: {  	_ =	shalt  }
0x75: {  	_ =	shalt  }
0x76: {  	_ =	shalt  }
0x77: {  	_ =	shalt  }
0x78: {  	_ =	shalt  }
0x79: {  	_ =	shalt  }
0x7a: {  	_ =	shalt  }
0x7b: {  	_ =	shalt  }
0x7c: {  	_ =	shalt  }
0x7d: {  	_ =	shalt  }
0x7e: {  	_ =	shalt  }
0x7f: {  	_ =	shalt  }
0x80: {  	_ =	shalt  }
0x81: {  	_ =	shalt  }
0x82: {  	_ =	shalt  }
0x83: {  	_ =	shalt  }
0x84: {  	_ =	shalt  }
0x85: {  	_ =	shalt  }
0x86: {  	_ =	shalt  }
0x87: {  	_ =	shalt  }
.Lfunc_end0:
.L_simem_size_0:
called_computation.2_lowered:
.L_overlay_start_0:
0x88: {  	s2 =	sld [smem:$0x3FD9]  }
0x89: {  	s3 =	sld [smem:$0x3FFE];
	_ =	sdelay $0x1  }
0x8a: {  	s1 =	srdreg.scid  }
0x8b: {  	s0 =	sand.u32 $0x1, s1  }
0x8c: {  	s16 =	sshll.u32 s0, $0xA;
	s2 =	sadd.s32 s3, s2  }
0x8d: {  	s2 =	sadd.s32 s2, s16  }
0x8e: {  	[smem:$0x3FC2] =	sst s2  }
0x8f: {  	_ = 	snop  }
0x90: {  	(tm) =	ssettm $0x1  }
0x91: {  	s17 =	sld [smem:$0x3FFB];
	_ =	sdelay $0x3  }
0x92: {  	_ =	strace s17  }
0x93: {  	s2 =	sld [smem:$0x3FFC];
	_ =	sdelay $0x3  }
0x94: {  	_ =	strace s2  }
0x95: {  	s2 =	sld [smem:$0x3FFD];
	_ =	sdelay $0x3  }
0x96: {  	_ =	strace s2  }
0x97: {  	_ =	strace $0x8FFFFFFF  }
0x98: {  	s18 =	sld [smem:$0x3FDB];
	_ =	sdelay $0x1  }
0x99: {  	s19 =	simm.s32 $_scs_section_size  }
0x9a: {  	s4 =	simm.s32 $_size__tile_overlayer_lowered;
	s5 =	simm.s32 $_tile_overlayer_lowered  }
0x9b: {  	s22 =	simm.s32 $0x1BFF;
	s21 =	sshll.u32 s5, $0x1;
	s2 =	sadd.s32 s19, s18  }
0x9c: {  	s6 =	simm.s32 $0x0;
	s20 =	sshll.u32 s4, $0x1;
	s4 =	sadd.s32 s21, s2  }
0x9d: {  	[timem:s6], [sflag:s22] =	dma.local [hbm:s4], s20  }
0x9e: {  	_ =	swait.ge [sflag:s22], s20  }
0x9f: {  	s3 =	ssub.s32 $0x0, s20;
	[sflag:s22] =	ssyncset.done $0x0  }
0xa0: {  	[sflag:s22] =	ssyncadd.s32 s3;
	_ =	sdelay $0x1  }
0xa1: {  	s23 =	simm.s32 $0x1B8B  }
0xa2: {  	_ =	swait.ge [sflag:s23], $0x1  }
0xa3: {  	[sflag:s23] =	ssyncset.done $0x0  }
0xa4: {  	s25 =	simm.s32 $0x1B8E;
	s24 =	sld [smem:$0x3FFE];
	[sflag:s23] =	ssyncadd.s32 $0xFFFFFFFF  }
0xa5: {  	s26 =	simm.s32 $execute0_lowered;
	[smem:$0x3FD2] =	sst s25  }
0xa6: {  	s4 =	sshll.u32 s26, $0x1;
	_ =	strace $0x8000004C;
	[dreg:$0x1] =	wrdreg $0xFFFFFFFF  }
0xa7: {  	s28 =	simm.s32 $_size_execute0_lowered;
	s2 =	sadd.s32 s2, s4;
	[dreg:$0x0] =	wrdreg $0x0  }
0xa8: {  	s4 =	sshll.u32 s28, $0x1;
	[dreg:$0x2] =	wrdreg s2  }
0xa9: {  	[dreg:$0x3] =	wrdreg s4  }
0xaa: {  	[dreg:$0x4] =	wrdreg $0xC0  }
0xab: {  	_ =	task [dreg:s6], $0x5FFFF  }
0xac: {  	[dreg:$0x1] =	wrdreg $0xFFFFFFFF  }
0xad: {  	[dreg:$0x0] =	wrdreg $0x60  }
0xae: {  	[dreg:$0x2] =	wrdreg s24  }
0xaf: {  	[dreg:$0x3] =	wrdreg $0x9  }
0xb0: {  	_ =	task.clear_ibuf [dreg:s6], $0x4FFFF;
	_ =	strace $0x9000004C  }
0xb1: {  	s29 =	simm.s32 $0x9;
	_ =	strace $0x8000004E  }
0xb2: {  	_ =	swait.ge [sflag:s29], $0x1  }
0xb3: {  	[sflag:s29] =	ssyncadd.s32 $0xFFFFFFFF  }
0xb4: {  	_ =	strace $0x9000004E  }
0xb5: {  	_ =	sfence  }
0xb6: {  	s30 =	sld [smem:$0x0];
	_ =	sdelay $0x2  }
0xb7: {  	s31 =	sshll.u32 s1, $0xD;
	s1 =	sshrl.u32 s1, $0x2  }
0xb8: {  	s3 =	sand.u32 $0x4000, s31;
	s1 =	sadd.s32 s1, s30  }
0xb9: {  	s0 =	sor.u32 s3, s0;
	s1 =	sshll.u32 s1, $0x11  }
0xba: {  	s0 =	sor.u32 s1, s0  }
0xbb: {  	s0 =	sadd.s32 $0x8F2B, s0  }
0xbc: {  	[sflag:s0] =	ssyncadd.remote.s32 $0x1  }
0xbd: {  	_ =	sfence.sel $0xFFFF  }
0xbe: {  	[dreg:$0x0] =	wrdreg $0xFFFFFFFF;
	(pc) =	sbr.abs _section_cstart, $3  }
0xbf: {  	[dreg:$0x1] =	wrdreg $0xFFFFFFFF  }
0xc0: {  	_ =	task.clear_ibuf [dreg:s6], $0x2FFFF;
	_ =	strace $0x9FFFFFFF  }
0xc1: {  	(tm) =	ssettm $0x7FFFFFFF  }
tec
execute0_lowered:
.L_overlay_start_1:
0x0: {  	(tag) =	ssettag $0x1  }
0x1: {  	s4 =	rddreg [dreg:$0x0]  }
0x2: {  	s1 =	srdreg.scid;
	s0 =	rddreg [dreg:$0x1]  }
0x3: {  	s2 =	simm.s32 $0x0;
	s9 =	simm.s32 $0x1;
	s10 =	simm.s32 $0x4000  }
0x4: {  	s11 =	simm.s32 $0xA780;
	s12 =	simm.s32 $0x0;
	s3 =	sand.u32 $0x1, s1  }
0x5: {  	s1 =	stileid.u32;
	[smem:$0x7FF] =	sst s2;
	s5 =	sshll.u32 s3, $0x4  }
0x6: {  	_ =	strace $0x8000004D;
	s7 =	ssub.s32 $0x2, s3;
	s5 =	sor.u32 s1, s5  }
0x7: {  	s3 =	sadd.s32 $0x1200, s4;
	s8 =	sshrl.u32 s7, $0x1;
	s6 =	smul.u32 $0x4E2, s5  }
0x8: {  	s5 =	sshll.u32 s5, $0xB;
	s7 =	ssub.s32 s7, s8;
	s8 =	simm.s32 $0x8000  }
0x9: {  	s5 =	sadd.s32 s5, s4;
	s7 =	smax.u32 s7, $0x1;
	s6 =	sadd.s32 s6, s4  }
0xa: {  	v0 =	vimm.f32 $0.0e+00;
	s4 =	sadd.s32 $0x61C00, s5;
	s5 =	sadd.s32 $0x14E00, s5;
	s6 =	sadd.s32 $0x1800, s6  }
.LBB2_1:
0xb: {  	[tilespmem:s8], [sflag:$0x1] =	stream.linear.gather [hbm4b:s3+s2], $0x2780, $0x38;
	[tilespmem:$0xCF00] =	vst v63  }
0xc: {  	_ =	swait.ge [sflag:s9], $0x2780  }
0xd: {  	[sflag:s9] =	ssyncset.done $0x0  }
0xe: {  	[sflag:s9] =	ssyncadd.s32 $0xFFFFD880  }
0xf: {  	[tilespmem:s2], [sflag:$0x1] =	stream.linear.gather [hbm4b:s4+s2], $0x3E80, $0x38;
	[tilespmem:$0xCF00] =	vst v63  }
0x10: {  	_ =	swait.ge [sflag:s9], $0x3E80  }
0x11: {  	[sflag:s9] =	ssyncset.done $0x0  }
0x12: {  	[sflag:s9] =	ssyncadd.s32 $0xFFFFC180  }
0x13: {  	[tilespmem:s10], [sflag:$0x1] =	stream.linear.gather [hbm4b:s5+s2], $0x3E80, $0x38;
	[tilespmem:$0xCF00] =	vst v63  }
0x14: {  	_ =	swait.ge [sflag:s9], $0x3E80  }
0x15: {  	[sflag:s9] =	ssyncset.done $0x0  }
0x16: {  	s13 =	simm.s32 $0x0;
	[sflag:s9] =	ssyncadd.s32 $0xFFFFC180  }
.LBB2_2:
0x17: {  	p0 =	sne.s32 s13, $0x9C00  }
.Ltmp0:
0x18: {  	_ = 	snop;
	(pc) =	sbr.rel @p0 .LBB2_2-.Ltmp0, $3  }
0x19: {  	_ =	sdelay $0x1  }
0x1a: {  	s14 =	sshra.s32 s13, $0x2  }
0x1b: {  	s13 =	sadd.s32 $0x40, s13;
	[tilespmem:s14+$0xA780] =	vst v0  }
0x1c: {  	s13 =	simm.s32 $0x0  }
.LBB2_4:
0x1d: {  	s14 =	sshra.s32 s13, $0x2  }
0x1e: {  	v1 =	vld [tilespmem:s14+$0x0];
	_ =	sdelay $0x4  }
0x1f: {  	v2 =	vld [tilespmem:s14+$0x4000];
	_ =	sdelay $0x2  }
0x20: {  	v1 =	vld.idx.msk [tilespmem:v1+s8+$0x0], $0xffff;
	_ =	sdelay $0x4  }
0x21: {  	[tilespmem:v2+s11+$0x0] =	vst.idx.add.f32.msk $0xffff, v1  }
0x22: {  	v1 =	vld [tilespmem:s14+$0x10];
	_ =	sdelay $0x4  }
0x23: {  	v2 =	vld [tilespmem:s14+$0x4010];
	_ =	sdelay $0x2  }
0x24: {  	v1 =	vld.idx.msk [tilespmem:v1+s8+$0x0], $0xffff;
	_ =	sdelay $0x4  }
0x25: {  	[tilespmem:v2+s11+$0x0] =	vst.idx.add.f32.msk $0xffff, v1  }
0x26: {  	v1 =	vld [tilespmem:s14+$0x20];
	_ =	sdelay $0x4  }
0x27: {  	v2 =	vld [tilespmem:s14+$0x4020];
	_ =	sdelay $0x2  }
0x28: {  	v1 =	vld.idx.msk [tilespmem:v1+s8+$0x0], $0xffff;
	_ =	sdelay $0x4  }
0x29: {  	[tilespmem:v2+s11+$0x0] =	vst.idx.add.f32.msk $0xffff, v1  }
0x2a: {  	v1 =	vld [tilespmem:s14+$0x30];
	_ =	sdelay $0x4  }
0x2b: {  	v2 =	vld [tilespmem:s14+$0x4030];
	_ =	sdelay $0x2  }
0x2c: {  	v1 =	vld.idx.msk [tilespmem:v1+s8+$0x0], $0xffff;
	_ =	sdelay $0x4  }
0x2d: {  	[tilespmem:v2+s11+$0x0] =	vst.idx.add.f32.msk $0xffff, v1  }
0x2e: {  	v1 =	vld [tilespmem:s14+$0x40];
	_ =	sdelay $0x4  }
0x2f: {  	v2 =	vld [tilespmem:s14+$0x4040];
	_ =	sdelay $0x2  }
0x30: {  	p0 =	sne.s32 s13, $0xF800;
	v1 =	vld.idx.msk [tilespmem:v1+s8+$0x0], $0xffff  }
.Ltmp1:
0x31: {  	_ = 	snop;
	(pc) =	sbr.rel @p0 .LBB2_4-.Ltmp1, $2  }
0x32: {  	_ =	sdelay $0x2  }
0x33: {  	s13 =	sadd.s32 $0x200, s13;
	[tilespmem:v2+s11+$0x0] =	vst.idx.add.f32.msk $0xffff, v1  }
0x34: {  	s12 =	sadd.s32 $0x1, s12  }
0x35: {  	p0 =	sne.s32 s12, s7  }
.Ltmp2:
0x36: {  	_ = 	snop;
	(pc) =	sbr.rel @p0 .LBB2_1-.Ltmp2, $4  }
0x37: {  	[hbm4b:s6+s2] =	stream.linear.scatter [tilespmem:s11], [sflag:$0x1], $0x2710, $0x38;
	[tilespmem:$0xCF00] =	vst v63  }
0x38: {  	_ =	swait.ge [sflag:s9], $0x2710  }
0x39: {  	[sflag:s9] =	ssyncset.done $0x0  }
0x3a: {  	[sflag:s9] =	ssyncadd.s32 $0xFFFFD8F0  }
0x3b: {  	_ =	sfence.sel $0x180000  }
0x3c: {  	[bflag:$0x0] =	sbarrier.arrive $0xFFFF  }
0x3d: {  	p0 =	sne.s32 s1, $0x0;
	_ =	strace $0x9000004D  }
0x3e: {  	s0 =	sadd.s32 @!p0 $0x100000, s0;
	[bflag:$0x2] =	sbarrier.arrive $0xFFFF  }
0x3f: {  	[sflag:s0] =	ssyncadd.tile.s32 @!p0 $0x1;
	_ =	shalt  }
.Lfunc_end2:
_tile_overlayer_lowered:
.L_overlay_start_2:
0x40: {  	(tag) =	ssettag $0x2  }
0x41: {  	s0 =	rddreg [dreg:$0x0];
	s2 =	stileid.u32  }
0x42: {  	s1 =	rddreg [dreg:$0x1];
	p0 =	sne.s32 s2, $0x0  }
0x43: {  	s3 =	rddreg [dreg:$0x2];
	[bflag:$0x3] =	sbarrier.arrive $0xFFFF;
	s2 =	simm.s32 @!p0 $0x1C01  }
0x44: {  	[timem:s3], [sflag:s2] =	dma.local @!p0 [hbm:s0], s1  }
0x45: {  	s0 =	simm.s32 @!p0 $0x1  }
0x46: {  	_ =	swait.ge @!p0 [sflag:s0], s1  }
0x47: {  	s1 =	ssub.s32 @!p0 $0x0, s1;
	[sflag:s0] =	ssyncset.done @!p0 $0x0  }
0x48: {  	[sflag:s0] =	ssyncadd.s32 @!p0 s1  }
0x49: {  	[bflag:$0x3] =	sbarrier.arrive $0xFFFF  }
0x4a: {  	_ =	shalt  }

// kernel: kernel.8.cloned.1.call-start
scs
__scs_entry_jumppad:
0x0: {  	(pc) =	sbr.rel $0x88, $3  }
0x1: {  	(tag) =	ssettag $0x0;
	lr =	simm.s32 $0x1  }
0x2: {  	[smem:$0x3F9B] =	sst lr;
	_ =	strace $0xD0000000  }
0x3: {  	_ = 	snop  }
0x4: {  	_ = 	snop  }
0x5: {  	_ = 	snop  }
0x6: {  	_ = 	snop  }
0x7: {  	_ = 	snop  }
__scs_overlays_trampoline_lowered:
0x8: {  	[smem:$0x3FAA] =	sst s0  }
0x9: {  	[smem:$0x3FAB] =	sst s1  }
0xa: {  	[smem:$0x3FAC] =	sst s2  }
0xb: {  	[smem:$0x3FAD] =	sst s3  }
0xc: {  	[smem:$0x3FAE] =	sst s4  }
0xd: {  	[smem:$0x3FAF] =	sst s5  }
0xe: {  	[smem:$0x3FB0] =	sst s6  }
0xf: {  	[smem:$0x3FB1] =	sst s7  }
0x10: {  	[smem:$0x3FB2] =	sst s8  }
0x11: {  	[smem:$0x3FB3] =	sst s9;
	s0 =	simm.s32 @!p0 $0x0  }
0x12: {  	s1 =	sld [smem:$0x3F99];
	s0 =	simm.s32 @p0 $0x1  }
0x13: {  	[smem:$0x3FB4] =	sst s0;
	s0 =	simm.s32 @!p1 $0x0  }
0x14: {  	s2 =	sld [smem:$0x3F98];
	s0 =	simm.s32 @p1 $0x1  }
0x15: {  	[smem:$0x3FB5] =	sst s0;
	s0 =	simm.s32 @!p2 $0x0  }
0x16: {  	s3 =	sld [smem:$0x3FDB];
	s0 =	simm.s32 @p2 $0x1  }
0x17: {  	s4 =	simm.s32 $0x1BF5;
	[smem:$0x3FB7] =	sst s0  }
0x18: {  	s0 =	sld [smem:$0x3F9A];
	_ =	swait.ge [sflag:s4], $0x0  }
0x19: {  	s7 =	sld [smem:$0x3F9B]  }
0x1a: {  	s8 =	sadd.s32 $0xFFFFE003, lr  }
0x1b: {  	s9 =	sadd.s32 $0xFFFFFEF7, lr;
	s5 =	simm.s32 $0xFFFFFFFF;
	p2 =	slt.u32 s8, $0xFFFFF086  }
0x1c: {  	p1 =	slt.u32 s9, $0xF7A;
	s5 =	simm.s32 @!p2 $0x0  }
0x1d: {  	s5 =	simm.s32 @p1 $0x1;
	p0 =	seq.s32 s7, s2  }
0x1e: {  	s7 =	smul.u32 @!p0 $0xF7A, s2;
	p2 =	seq.s32 @!p0 s5, $0x0  }
0x1f: {  	s9 =	smul.u32 $0xF7A, s1;
	s8 =	simm.s32 @!p0 $0x1BF5;
	p2 =	por !p2, p0  }
0x20: {  	[sflag:s8] =	ssyncset.s32 @!p0 $0xFFFFF086;
	s6 =	sadd.s32 @!p0 s3, s7;
	s7 =	simm.s32 @!p0 $0x108  }
0x21: {  	s3 =	sadd.s32 s3, s9;
	s6 =	sadd.s32 @!p0 $0x88, s6;
	s7 =	simm.s32 @p2 $0x1082  }
0x22: {  	[simem:s7], [sflag:s8] =	dma.local @!p0 [hbm:s6], $0xF7A  }
0x23: {  	s9 =	sor.u32 $0xD0000000, s2;
	s6 =	simm.s32 $0x108;
	_ =	swait.ge @!p0 [sflag:s8], $0x0  }
0x24: {  	s3 =	sadd.s32 $0x88, s3;
	s6 =	simm.s32 @!p1 $0x1082;
	[sflag:s4] =	ssyncset.s32 $0xFFFFF086  }
0x25: {  	[simem:s6], [sflag:s4] =	dma.local [hbm:s3], $0xF7A  }
0x26: {  	[smem:$0x3F9B] =	sst s1;
	(tag) =	ssettag s2;
	_ =	strace s9  }
0x27: {  	s1 =	sld [smem:$0x3FAB]  }
0x28: {  	s2 =	sld [smem:$0x3FAC]  }
0x29: {  	s4 =	sld [smem:$0x3FAE]  }
0x2a: {  	p0 =	seq.s32 s5, $0x0;
	s5 =	sld [smem:$0x3FAF]  }
0x2b: {  	s6 =	sld [smem:$0x3FB0]  }
0x2c: {  	s7 =	sld [smem:$0x3FB1]  }
0x2d: {  	s3 =	simm.s32 $0x108;
	s8 =	sld [smem:$0x3FB2]  }
0x2e: {  	s3 =	simm.s32 @!p0 $0x1082;
	s9 =	sld [smem:$0x3FB3]  }
0x2f: {  	lr =	sadd.s32 s0, s3;
	s0 =	sld [smem:$0x3FAA]  }
0x30: {  	s3 =	sld [smem:$0x3FAD]  }
0x31: {  	[smem:$0x3FB6] =	sst s10  }
0x32: {  	s10 =	sld [smem:$0x3FB4];
	_ =	sdelay $0x3  }
0x33: {  	p0 =	seq.s32 s10, $0x1;
	s10 =	sld [smem:$0x3FB6];
	_ =	sdelay $0x3  }
0x34: {  	[smem:$0x3FB6] =	sst s10  }
0x35: {  	s10 =	sld [smem:$0x3FB5];
	_ =	sdelay $0x3  }
0x36: {  	p1 =	seq.s32 s10, $0x1;
	s10 =	sld [smem:$0x3FB6];
	_ =	sdelay $0x3  }
0x37: {  	[smem:$0x3FB6] =	sst s10  }
0x38: {  	s10 =	sld [smem:$0x3FB7]  }
0x39: {  	_ = 	snop;
	(pc) =	sbr.ind lr, $3  }
0x3a: {  	_ = 	snop  }
0x3b: {  	_ = 	snop  }
0x3c: {  	p2 =	seq.s32 s10, $0x1;
	s10 =	sld [smem:$0x3FB6]  }
0x3d: {  	_ =	shalt  }
0x3e: {  	_ =	shalt  }
0x3f: {  	_ =	shalt  }
0x40: {  	_ =	shalt  }
0x41: {  	_ =	shalt  }
0x42: {  	_ =	shalt  }
0x43: {  	_ =	shalt  }
0x44: {  	_ =	shalt  }
0x45: {  	_ =	shalt  }
0x46: {  	_ =	shalt  }
0x47: {  	_ =	shalt  }
0x48: {  	_ =	shalt  }
0x49: {  	_ =	shalt  }
0x4a: {  	_ =	shalt  }
0x4b: {  	_ =	shalt  }
0x4c: {  	_ =	shalt  }
0x4d: {  	_ =	shalt  }
0x4e: {  	_ =	shalt  }
0x4f: {  	_ =	shalt  }
0x50: {  	_ =	shalt  }
0x51: {  	_ =	shalt  }
0x52: {  	_ =	shalt  }
0x53: {  	_ =	shalt  }
0x54: {  	_ =	shalt  }
0x55: {  	_ =	shalt  }
0x56: {  	_ =	shalt  }
0x57: {  	_ =	shalt  }
0x58: {  	_ =	shalt  }
0x59: {  	_ =	shalt  }
0x5a: {  	_ =	shalt  }
0x5b: {  	_ =	shalt  }
0x5c: {  	_ =	shalt  }
0x5d: {  	_ =	shalt  }
0x5e: {  	_ =	shalt  }
0x5f: {  	_ =	shalt  }
0x60: {  	_ =	shalt  }
0x61: {  	_ =	shalt  }
0x62: {  	_ =	shalt  }
0x63: {  	_ =	shalt  }
0x64: {  	_ =	shalt  }
0x65: {  	_ =	shalt  }
0x66: {  	_ =	shalt  }
0x67: {  	_ =	shalt  }
0x68: {  	_ =	shalt  }
0x69: {  	_ =	shalt  }
0x6a: {  	_ =	shalt  }
0x6b: {  	_ =	shalt  }
0x6c: {  	_ =	shalt  }
0x6d: {  	_ =	shalt  }
0x6e: {  	_ =	shalt  }
0x6f: {  	_ =	shalt  }
0x70: {  	_ =	shalt  }
0x71: {  	_ =	shalt  }
0x72: {  	_ =	shalt  }
0x73: {  	_ =	shalt  }
0x74: {  	_ =	shalt  }
0x75: {  	_ =	shalt  }
0x76: {  	_ =	shalt  }
0x77: {  	_ =	shalt  }
0x78: {  	_ =	shalt  }
0x79: {  	_ =	shalt  }
0x7a: {  	_ =	shalt  }
0x7b: {  	_ =	shalt  }
0x7c: {  	_ =	shalt  }
0x7d: {  	_ =	shalt  }
0x7e: {  	_ =	shalt  }
0x7f: {  	_ =	shalt  }
0x80: {  	_ =	shalt  }
0x81: {  	_ =	shalt  }
0x82: {  	_ =	shalt  }
0x83: {  	_ =	shalt  }
0x84: {  	_ =	shalt  }
0x85: {  	_ =	shalt  }
0x86: {  	_ =	shalt  }
0x87: {  	_ =	shalt  }
.Lfunc_end0:
.L_simem_size_0:
called_computation_lowered:
.L_overlay_start_0:
0x88: {  	s2 =	sld [smem:$0x3FD9]  }
0x89: {  	s3 =	sld [smem:$0x3FFE];
	_ =	sdelay $0x1  }
0x8a: {  	s1 =	srdreg.scid  }
0x8b: {  	s0 =	sand.u32 $0x1, s1  }
0x8c: {  	s16 =	sshll.u32 s0, $0xA;
	s2 =	sadd.s32 s3, s2  }
0x8d: {  	s2 =	sadd.s32 s2, s16  }
0x8e: {  	[smem:$0x3FC2] =	sst s2  }
0x8f: {  	_ = 	snop  }
0x90: {  	(tm) =	ssettm $0x1  }
0x91: {  	s17 =	sld [smem:$0x3FFB];
	_ =	sdelay $0x3  }
0x92: {  	_ =	strace s17  }
0x93: {  	s2 =	sld [smem:$0x3FFC];
	_ =	sdelay $0x3  }
0x94: {  	_ =	strace s2  }
0x95: {  	s2 =	sld [smem:$0x3FFD];
	_ =	sdelay $0x3  }
0x96: {  	_ =	strace s2  }
0x97: {  	_ =	strace $0x8FFFFFFF  }
0x98: {  	s18 =	sld [smem:$0x3FDB];
	_ =	sdelay $0x1  }
0x99: {  	s19 =	simm.s32 $_scs_section_size  }
0x9a: {  	s4 =	simm.s32 $_size__tile_overlayer_lowered;
	s5 =	simm.s32 $_tile_overlayer_lowered  }
0x9b: {  	s22 =	simm.s32 $0x1BFF;
	s21 =	sshll.u32 s5, $0x1;
	s2 =	sadd.s32 s19, s18  }
0x9c: {  	s6 =	simm.s32 $0x0;
	s20 =	sshll.u32 s4, $0x1;
	s4 =	sadd.s32 s21, s2  }
0x9d: {  	[timem:s6], [sflag:s22] =	dma.local [hbm:s4], s20  }
0x9e: {  	_ =	swait.ge [sflag:s22], s20  }
0x9f: {  	s3 =	ssub.s32 $0x0, s20;
	[sflag:s22] =	ssyncset.done $0x0  }
0xa0: {  	[sflag:s22] =	ssyncadd.s32 s3;
	_ =	sdelay $0x1  }
0xa1: {  	s23 =	simm.s32 $0x1B8B  }
0xa2: {  	_ =	swait.ge [sflag:s23], $0x1  }
0xa3: {  	[sflag:s23] =	ssyncset.done $0x0  }
0xa4: {  	s25 =	simm.s32 $0x1B8E;
	s24 =	sld [smem:$0x3FFE];
	[sflag:s23] =	ssyncadd.s32 $0xFFFFFFFF  }
0xa5: {  	s26 =	simm.s32 $execute0_lowered;
	[smem:$0x3FD2] =	sst s25  }
0xa6: {  	s4 =	sshll.u32 s26, $0x1;
	_ =	strace $0x80000046;
	[dreg:$0x1] =	wrdreg $0xFFFFFFFF  }
0xa7: {  	s28 =	simm.s32 $_size_execute0_lowered;
	s2 =	sadd.s32 s2, s4;
	[dreg:$0x0] =	wrdreg $0x0  }
0xa8: {  	s4 =	sshll.u32 s28, $0x1;
	[dreg:$0x2] =	wrdreg s2  }
0xa9: {  	[dreg:$0x3] =	wrdreg s4  }
0xaa: {  	[dreg:$0x4] =	wrdreg $0xC0  }
0xab: {  	_ =	task [dreg:s6], $0x5FFFF  }
0xac: {  	[dreg:$0x1] =	wrdreg $0xFFFFFFFF  }
0xad: {  	[dreg:$0x0] =	wrdreg $0x60  }
0xae: {  	[dreg:$0x2] =	wrdreg s24  }
0xaf: {  	[dreg:$0x3] =	wrdreg $0x9  }
0xb0: {  	_ =	task.clear_ibuf [dreg:s6], $0x4FFFF;
	_ =	strace $0x90000046  }
0xb1: {  	s29 =	simm.s32 $0x9;
	_ =	strace $0x80000048  }
0xb2: {  	_ =	swait.ge [sflag:s29], $0x1  }
0xb3: {  	[sflag:s29] =	ssyncadd.s32 $0xFFFFFFFF  }
0xb4: {  	_ =	strace $0x90000048  }
0xb5: {  	_ =	sfence  }
0xb6: {  	s30 =	sld [smem:$0x0];
	_ =	sdelay $0x2  }
0xb7: {  	s31 =	sshll.u32 s1, $0xD;
	s1 =	sshrl.u32 s1, $0x2  }
0xb8: {  	s3 =	sand.u32 $0x4000, s31;
	s1 =	sadd.s32 s1, s30  }
0xb9: {  	s0 =	sor.u32 s3, s0;
	s1 =	sshll.u32 s1, $0x11  }
0xba: {  	s0 =	sor.u32 s1, s0  }
0xbb: {  	s0 =	sadd.s32 $0x8F2B, s0  }
0xbc: {  	[sflag:s0] =	ssyncadd.remote.s32 $0x1  }
0xbd: {  	_ =	sfence.sel $0xFFFF  }
0xbe: {  	[dreg:$0x0] =	wrdreg $0xFFFFFFFF;
	(pc) =	sbr.abs _section_cstart, $3  }
0xbf: {  	[dreg:$0x1] =	wrdreg $0xFFFFFFFF  }
0xc0: {  	_ =	task.clear_ibuf [dreg:s6], $0x2FFFF;
	_ =	strace $0x9FFFFFFF  }
0xc1: {  	(tm) =	ssettm $0x7FFFFFFF  }
tec
execute0_lowered:
.L_overlay_start_1:
0x0: {  	(tag) =	ssettag $0x1  }
0x1: {  	s0 =	srdreg.scid;
	s4 =	rddreg [dreg:$0x0]  }
0x2: {  	s1 =	stileid.u32;
	s2 =	simm.s32 $0x0;
	s3 =	sand.u32 $0x1, s0  }
0x3: {  	s8 =	simm.s32 $0x0;
	s0 =	rddreg [dreg:$0x1];
	s5 =	sshll.u32 s3, $0x4  }
0x4: {  	[smem:$0x7FF] =	sst s2;
	s3 =	ssub.s32 $0x2, s3;
	s5 =	sor.u32 s1, s5  }
0x5: {  	s7 =	sshrl.u32 s3, $0x1;
	s6 =	smul.u32 $0x4E2, s5;
	s5 =	sshll.u32 s5, $0xB  }
0x6: {  	_ =	strace $0x80000047;
	s31 =	ssub.s32 s3, s7;
	s5 =	sadd.s32 s5, s4  }
0x7: {  	s7 =	simm.s32 $0x4000;
	s4 =	sadd.s32 s6, s4;
	s3 =	sadd.s32 $0x14E00, s5  }
0x8: {  	v0 =	vimm.f32 $0.0e+00;
	v1 =	vimm.f32 $1.000000000e+00;
	s5 =	smax.u32 s31, $0x1;
	s6 =	simm.s32 $0x1;
	s4 =	sadd.s32 $0x24E00, s4  }
.LBB2_1:
0x9: {  	[tilespmem:s2], [sflag:$0x1] =	stream.linear.gather [hbm4b:s3+s2], $0x3E80, $0x38;
	[tilespmem:$0x6780] =	vst v63  }
0xa: {  	_ =	swait.ge [sflag:s6], $0x3E80  }
0xb: {  	[sflag:s6] =	ssyncset.done $0x0  }
0xc: {  	s9 =	simm.s32 $0x0;
	[sflag:s6] =	ssyncadd.s32 $0xFFFFC180  }
.LBB2_2:
0xd: {  	p0 =	sne.s32 s9, $0x9C00  }
.Ltmp0:
0xe: {  	_ = 	snop;
	(pc) =	sbr.rel @p0 .LBB2_2-.Ltmp0, $3  }
0xf: {  	_ =	sdelay $0x1  }
0x10: {  	s10 =	sshra.s32 s9, $0x2  }
0x11: {  	s9 =	sadd.s32 $0x40, s9;
	[tilespmem:s10+$0x4000] =	vst v0  }
0x12: {  	s9 =	simm.s32 $0x0  }
.LBB2_4:
0x13: {  	s10 =	sshra.s32 s9, $0x2  }
0x14: {  	v2 =	vld [tilespmem:s10+$0x0];
	_ =	sdelay $0x7  }
0x15: {  	[tilespmem:v2+s7+$0x0] =	vst.idx.add.f32.msk $0xffff, v1  }
0x16: {  	v2 =	vld [tilespmem:s10+$0x10];
	_ =	sdelay $0x7  }
0x17: {  	[tilespmem:v2+s7+$0x0] =	vst.idx.add.f32.msk $0xffff, v1  }
0x18: {  	v2 =	vld [tilespmem:s10+$0x20];
	_ =	sdelay $0x7  }
0x19: {  	[tilespmem:v2+s7+$0x0] =	vst.idx.add.f32.msk $0xffff, v1  }
0x1a: {  	v2 =	vld [tilespmem:s10+$0x30];
	_ =	sdelay $0x7  }
0x1b: {  	[tilespmem:v2+s7+$0x0] =	vst.idx.add.f32.msk $0xffff, v1  }
0x1c: {  	v2 =	vld [tilespmem:s10+$0x40];
	_ =	sdelay $0x2  }
0x1d: {  	p0 =	sne.s32 s9, $0xF800  }
.Ltmp1:
0x1e: {  	_ = 	snop;
	(pc) =	sbr.rel @p0 .LBB2_4-.Ltmp1, $2  }
0x1f: {  	_ =	sdelay $0x2  }
0x20: {  	s9 =	sadd.s32 $0x200, s9;
	[tilespmem:v2+s7+$0x0] =	vst.idx.add.f32.msk $0xffff, v1  }
0x21: {  	s8 =	sadd.s32 $0x1, s8  }
0x22: {  	p0 =	sne.s32 s8, s5  }
.Ltmp2:
0x23: {  	_ = 	snop;
	(pc) =	sbr.rel @p0 .LBB2_1-.Ltmp2, $4  }
0x24: {  	[hbm4b:s4+s2] =	stream.linear.scatter [tilespmem:s7], [sflag:$0x1], $0x2710, $0x38;
	[tilespmem:$0x6780] =	vst v63  }
0x25: {  	_ =	swait.ge [sflag:s6], $0x2710  }
0x26: {  	[sflag:s6] =	ssyncset.done $0x0  }
0x27: {  	[sflag:s6] =	ssyncadd.s32 $0xFFFFD8F0  }
0x28: {  	_ =	sfence.sel $0x180000  }
0x29: {  	[bflag:$0x0] =	sbarrier.arrive $0xFFFF  }
0x2a: {  	p0 =	sne.s32 s1, $0x0;
	_ =	strace $0x90000047  }
0x2b: {  	s0 =	sadd.s32 @!p0 $0x100000, s0;
	[bflag:$0x2] =	sbarrier.arrive $0xFFFF  }
0x2c: {  	[sflag:s0] =	ssyncadd.tile.s32 @!p0 $0x1;
	_ =	shalt  }
.Lfunc_end2:
_tile_overlayer_lowered:
.L_overlay_start_2:
0x2d: {  	(tag) =	ssettag $0x2  }
0x2e: {  	s0 =	rddreg [dreg:$0x0];
	s2 =	stileid.u32  }
0x2f: {  	s1 =	rddreg [dreg:$0x1];
	p0 =	sne.s32 s2, $0x0  }
0x30: {  	s3 =	rddreg [dreg:$0x2];
	[bflag:$0x3] =	sbarrier.arrive $0xFFFF;
	s2 =	simm.s32 @!p0 $0x1C01  }
0x31: {  	[timem:s3], [sflag:s2] =	dma.local @!p0 [hbm:s0], s1  }
0x32: {  	s0 =	simm.s32 @!p0 $0x1  }
0x33: {  	_ =	swait.ge @!p0 [sflag:s0], s1  }
0x34: {  	s1 =	ssub.s32 @!p0 $0x0, s1;
	[sflag:s0] =	ssyncset.done @!p0 $0x0  }
0x35: {  	[sflag:s0] =	ssyncadd.s32 @!p0 s1  }
0x36: {  	[bflag:$0x3] =	sbarrier.arrive $0xFFFF  }
0x37: {  	_ =	shalt  }

</sc_bundles>
